<compile_context>
chip_gen: v7x
topology: tpu7x:2x2x1
jax: 0.10.2.dev20260603
libtpu: 0.0.44.dev20260713+nightly
codegen_flags: <defaults>
</compile_context>

<pallas_src>
import functools

import jax
import jax.numpy as jnp
from jax import lax
from jax.experimental import pallas as pl
from jax.experimental.pallas import tpu as pltpu
from jax.experimental.pallas import tpu_sc as plsc

N, L, DS, DE, CH, E, K = 4, 1024, 384, 32, 128, 20, 7
C = DS + DE
R = N * L
B = 512
NB = R // B
W = NB + E - 1
OP = 32



def _routing_body(aa_ref, encd_ref, wsf_ref, wen_ref, sf_ref, en_ref,
                  quat_ref, trsl_ref,
                  meta_ref, pos_ref, dst4_ref, ent_ref,
                  qn_ref, tn_ref, qu_ref):
    for n in range(N):
        ent_ref[:, n * DE:(n + 1) * DE] = encd_ref[n]

    dgf = functools.partial(lax.dot_general,
                            preferred_element_type=jnp.float32)
    tl = (((1,), (1,)), ((), ()))
    upd = dgf(wsf_ref[...], sf_ref[...], tl) + dgf(
        wen_ref[...], en_ref[...], tl)
    qu = upd[0:4, :]
    tu = upd[4:7, :]
    qu_ref[...] = qu
    qo = quat_ref[...]
    to = trsl_ref[...]

    nrm = jnp.sqrt(jnp.sum(qu * qu, axis=0, keepdims=True)) + 1e-8
    q2 = qu / nrm
    w2, x2, y2, z2 = q2[0:1], q2[1:2], q2[2:3], q2[3:4]
    w1, x1, y1, z1 = qo[0:1], qo[1:2], qo[2:3], qo[3:4]

    qn_ref[0:1, :] = w1 * w2 - x1 * x2 - y1 * y2 - z1 * z2
    qn_ref[1:2, :] = w1 * x2 + x1 * w2 + y1 * z2 - z1 * y2
    qn_ref[2:3, :] = w1 * y2 - x1 * z2 + y1 * w2 + z1 * x2
    qn_ref[3:4, :] = w1 * z2 + x1 * y2 - y1 * x2 + z1 * w2

    onrm = jnp.sqrt(jnp.sum(qo * qo, axis=0, keepdims=True)) + 1e-8
    qon = qo / onrm
    w, x, y, z = qon[0:1], qon[1:2], qon[2:3], qon[3:4]
    t0, t1, t2 = tu[0:1], tu[1:2], tu[2:3]
    tn_ref[0:1, :] = to[0:1] + ((1 - 2 * (y * y + z * z)) * t0
                                + (2 * (x * y - w * z)) * t1
                                + (2 * (x * z + w * y)) * t2)
    tn_ref[1:2, :] = to[1:2] + ((2 * (x * y + w * z)) * t0
                                + (1 - 2 * (x * x + z * z)) * t1
                                + (2 * (y * z - w * x)) * t2)
    tn_ref[2:3, :] = to[2:3] + ((2 * (x * z - w * y)) * t0
                                + (2 * (y * z + w * x)) * t1
                                + (1 - 2 * (x * x + y * y)) * t2)

    aa = aa_ref[...]
    e_col = lax.broadcasted_iota(jnp.int32, (E, 1), 0)
    m = (aa == e_col).astype(jnp.float32)

    li = lax.broadcasted_iota(jnp.int32, (L, L), 0)
    lj = lax.broadcasted_iota(jnp.int32, (L, L), 1)
    tri_strict = (li < lj).astype(jnp.float32)
    cum_excl = lax.dot_general(m, tri_strict, (((1,), (0,)), ((), ())),
                               preferred_element_type=jnp.float32)

    counts = jnp.sum(m, axis=1, keepdims=True)
    ei = lax.broadcasted_iota(jnp.int32, (E, E), 0)
    ej = lax.broadcasted_iota(jnp.int32, (E, E), 1)
    tri_e_strict = (ej < ei).astype(jnp.float32)
    starts = lax.dot_general(tri_e_strict, counts, (((1,), (0,)), ((), ())),
                             preferred_element_type=jnp.float32)

    rank = jnp.sum(m * cum_excl, axis=0, keepdims=True)
    start_at = jnp.sum(m * starts, axis=0, keepdims=True)
    pos = (rank + start_at).astype(jnp.int32)
    pos_ref[...] = pos
    n_col = lax.broadcasted_iota(jnp.int32, (N, 1), 0)
    dst4_ref[...] = pos * N + n_col

    counts_i = counts.astype(jnp.int32)
    s_rows = starts.astype(jnp.int32) * N
    t_rows = s_rows + counts_i * N
    first_blk = s_rows // B
    last_blk = (t_rows + (B - 1)) // B
    nblk = jnp.where(counts_i > 0, last_blk - first_blk, 0)
    tri_e_incl = (ej <= ei).astype(jnp.float32)
    offs = lax.dot_general(tri_e_incl, nblk.astype(jnp.float32),
                           (((1,), (0,)), ((), ())),
                           preferred_element_type=jnp.float32).astype(jnp.int32)

    w_ids = lax.broadcasted_iota(jnp.int32, (1, W), 1)
    e_of = jnp.sum((offs <= w_ids).astype(jnp.int32), axis=0, keepdims=True)
    e_of = jnp.minimum(e_of, E - 1)
    sel = (e_col == e_of).astype(jnp.int32)
    gat = lambda v: jnp.sum(sel * v, axis=0, keepdims=True)
    offs_excl_at = gat(offs - nblk)
    j = w_ids - offs_excl_at
    blk = gat(first_blk) + j
    s_in = jnp.clip(gat(s_rows) - blk * B, 0, B)
    t_in = jnp.clip(gat(t_rows) - blk * B, 0, B)
    total = jnp.sum(offs * (e_col == E - 1).astype(jnp.int32),
                    axis=0, keepdims=True)
    valid = w_ids < total
    blk = jnp.where(valid, blk, NB - 1)
    e_of = jnp.where(valid, e_of, E - 1)
    s_in = jnp.where(valid, s_in, 0)
    t_in = jnp.where(valid, t_in, 0)

    wi = lax.broadcasted_iota(jnp.int32, (W, W), 0)
    wj = lax.broadcasted_iota(jnp.int32, (W, W), 1)
    shift = (wi == wj - 1).astype(jnp.float32)
    prev = lax.dot_general(blk.astype(jnp.float32), shift,
                           (((1,), (0,)), ((), ())),
                           preferred_element_type=jnp.float32).astype(jnp.int32)
    first = (valid & ((blk != prev) | (w_ids == 0))).astype(jnp.int32)

    meta_ref[0:1, :] = blk
    meta_ref[1:2, :] = e_of
    meta_ref[2:3, :] = s_in
    meta_ref[3:4, :] = t_in
    meta_ref[4:5, :] = first


def _routing(aa_row, encd, wsf, wen, sf_f, en_f, quat_t, trsl_t):
    return pl.pallas_call(
        _routing_body,
        out_shape=(
            jax.ShapeDtypeStruct((5, W), jnp.int32),
            jax.ShapeDtypeStruct((1, L), jnp.int32),
            jax.ShapeDtypeStruct((N, L), jnp.int32),
            jax.ShapeDtypeStruct((L, N * DE), jnp.float32),
            jax.ShapeDtypeStruct((4, R), jnp.float32),
            jax.ShapeDtypeStruct((3, R), jnp.float32),
            jax.ShapeDtypeStruct((4, R), jnp.float32),
        ),
    )(aa_row, encd, wsf, wen, sf_f, en_f, quat_t, trsl_t)




def _sc_scatter_in(a_f, b_f, e_t, dst, pos):
    info = plsc.get_sparse_core_info()
    nw = info.num_cores * info.num_subcores
    pr = R // nw
    pl_ = L // nw
    mesh = plsc.VectorSubcoreMesh(core_axis_name="c", subcore_axis_name="s")

    @functools.partial(
        pl.kernel,
        mesh=mesh,
        out_type=(
            jax.ShapeDtypeStruct((R, DS), jnp.float32),
            jax.ShapeDtypeStruct((R, DS), jnp.float32),
            jax.ShapeDtypeStruct((L, N * DE), jnp.float32),
        ),
        scratch_types=[
            pltpu.VMEM((pr,), jnp.int32),
            pltpu.VMEM((pl_,), jnp.int32),
            pltpu.VMEM((pr, DS), jnp.float32),
            pltpu.VMEM((pr, DS), jnp.float32),
            pltpu.VMEM((pl_, N * DE), jnp.float32),
            pltpu.SemaphoreType.DMA,
            pltpu.SemaphoreType.DMA,
            pltpu.SemaphoreType.DMA,
        ],
    )
    def k(a_hbm, b_hbm, e_hbm, dst_hbm, pos_hbm, oa_hbm, ob_hbm, oe_hbm,
          dst_v, pos_v, ba, bb, be, s1, s2, s3):
        wid = lax.axis_index("s") * info.num_cores + lax.axis_index("c")
        ra = wid * pr
        rl = wid * pl_
        pltpu.sync_copy(dst_hbm.at[pl.ds(ra, pr)], dst_v)
        pltpu.sync_copy(pos_hbm.at[pl.ds(rl, pl_)], pos_v)
        ca = pltpu.async_copy(a_hbm.at[pl.ds(ra, pr)], ba, s1)
        cb = pltpu.async_copy(b_hbm.at[pl.ds(ra, pr)], bb, s2)
        ce = pltpu.async_copy(e_hbm.at[pl.ds(rl, pl_)], be, s3)
        ca.wait()
        sa = pltpu.async_copy(ba, oa_hbm.at[dst_v], s1)
        cb.wait()
        sb = pltpu.async_copy(bb, ob_hbm.at[dst_v], s2)
        ce.wait()
        se = pltpu.async_copy(be, oe_hbm.at[pos_v], s3)
        sa.wait()
        sb.wait()
        se.wait()

    return k(a_f, b_f, e_t, dst, pos)


def _sc_gather_out(table, idx):
    rows, width = table.shape
    info = plsc.get_sparse_core_info()
    nw = info.num_cores * info.num_subcores
    per_w = rows // nw
    mesh = plsc.VectorSubcoreMesh(core_axis_name="c", subcore_axis_name="s")

    @functools.partial(
        pl.kernel,
        mesh=mesh,
        out_type=jax.ShapeDtypeStruct((rows, width), jnp.float32),
        scratch_types=[
            pltpu.VMEM((per_w,), jnp.int32),
            pltpu.VMEM((per_w, width), jnp.float32),
            pltpu.SemaphoreType.DMA,
        ],
    )
    def k(t_hbm, idx_hbm, o_hbm, idx_v, r_v, sem):
        wid = lax.axis_index("s") * info.num_cores + lax.axis_index("c")
        base = wid * per_w
        pltpu.sync_copy(idx_hbm.at[pl.ds(base, per_w)], idx_v)
        pltpu.async_copy(t_hbm.at[idx_v], r_v, sem).wait()
        pltpu.sync_copy(r_v, o_hbm.at[pl.ds(base, per_w)])

    return k(table, idx)




def _bf(x):
    return x.astype(jnp.bfloat16)


def _mlp_body(meta_ref, xsf_ref, xsfi_ref, enc_ref,
              w1_ref, w2_ref,
              r1a_ref, r1b_ref, r2a_ref, r2b_ref,
              wo_ref, out_ref):
    w = pl.program_id(0)
    s = meta_ref[2, w]
    t = meta_ref[3, w]
    first = meta_ref[4, w]

    dotf = functools.partial(jnp.dot, preferred_element_type=jnp.float32)
    w1a = _bf(w1_ref[0:DS, :])
    w2a = _bf(w2_ref[0:DS, :])
    wenc = _bf(w1_ref[DS:C, :] + w2_ref[DS:C, :])
    r1a = _bf(r1a_ref[...])
    r1b = _bf(r1b_ref[...])
    r2a = _bf(r2a_ref[...])
    r2b = _bf(r2b_ref[...])
    wo32 = _bf(jnp.concatenate(
        [wo_ref[...], jnp.zeros((CH, OP - 2 * K), jnp.float32)], axis=1))

    rxsf = _bf(jnp.maximum(xsf_ref[...], 0.0))
    rxsfi = _bf(jnp.maximum(xsfi_ref[...], 0.0))
    renc = _bf(jnp.maximum(enc_ref[...], 0.0))
    a = dotf(rxsf, w1a) + dotf(rxsfi, w2a) + dotf(renc, wenc)
    h1 = jnp.maximum(dotf(_bf(jnp.maximum(a, 0.0)), r1a), 0.0)
    a = a + dotf(_bf(h1), r1b)
    h2 = jnp.maximum(dotf(_bf(jnp.maximum(a, 0.0)), r2a), 0.0)
    a = a + dotf(_bf(h2), r2b)
    o = dotf(_bf(jnp.maximum(a, 0.0)), wo32)

    rows = lax.broadcasted_iota(jnp.int32, (B, OP), 0)
    mask = (rows >= s) & (rows < t)

    @pl.when(first == 1)
    def _():
        out_ref[...] = jnp.where(mask, o, 0.0)

    @pl.when(first == 0)
    def _():
        out_ref[...] = jnp.where(mask, o, out_ref[...])


def _grouped_mlp(meta, xsf, xsfi, enc, aW1, aW2,
                 rW1a, rW1b, rW2a, rW2b, aWo):
    blk = lambda w, m: (m[0, w], 0)
    ewt3 = lambda w, m: (m[1, w], 0, 0)
    grid_spec = pltpu.PrefetchScalarGridSpec(
        num_scalar_prefetch=1,
        grid=(W,),
        in_specs=[
            pl.BlockSpec((B, DS), blk),
            pl.BlockSpec((B, DS), blk),
            pl.BlockSpec((B, DE), blk),
            pl.BlockSpec((None, C, CH), ewt3),
            pl.BlockSpec((None, C, CH), ewt3),
            pl.BlockSpec((None, CH, CH), ewt3),
            pl.BlockSpec((None, CH, CH), ewt3),
            pl.BlockSpec((None, CH, CH), ewt3),
            pl.BlockSpec((None, CH, CH), ewt3),
            pl.BlockSpec((None, CH, 2 * K), ewt3),
        ],
        out_specs=pl.BlockSpec((B, OP), blk),
    )
    return pl.pallas_call(
        _mlp_body,
        grid_spec=grid_spec,
        out_shape=jax.ShapeDtypeStruct((R, OP), jnp.float32),
    )(meta, xsf, xsfi, enc, aW1, aW2, rW1a, rW1b, rW2a, rW2b, aWo)




def kernel(aa_seq, sfea_tns, sfea_tns_init, encd_tns, quat_tns, trsl_tns,
           Wq, bq, Wt, bt,
           aW1, ab1, aW2, ab2,
           rW1a, rb1a, rW1b, rb1b, rW2a, rb2a, rW2b, rb2b,
           aWo, abo):
    sf_f = sfea_tns.reshape(R, DS)
    sfi_f = sfea_tns_init.reshape(R, DS)
    en_f = encd_tns.reshape(R, DE)
    wqt8 = jnp.concatenate(
        [Wq, Wt, jnp.zeros((C, 1), jnp.float32)], axis=1).T
    meta, pos, dst4, en_t, qn_t, tn_t, qu_t = _routing(
        aa_seq.reshape(1, L).astype(jnp.int32), encd_tns,
        wqt8[:, :DS], wqt8[:, DS:], sf_f, en_f,
        quat_tns.reshape(R, 4).T, trsl_tns.reshape(R, 3).T)
    pos_l = pos.reshape(L)
    dst = dst4.reshape(R)
    quat_new = qn_t.T.reshape(N, L, 4)
    trsl_new = tn_t.T.reshape(N, L, 3)
    quat_upd = qu_t.T.reshape(N, L, 4)

    xsf, xsfi, enc_t = _sc_scatter_in(sf_f, sfi_f, en_t, dst, pos_l)
    enc = enc_t.reshape(R, DE)

    out_sorted = _grouped_mlp(meta, xsf, xsfi, enc, aW1, aW2,
                              rW1a, rW1b, rW2a, rW2b, aWo)

    out_rows = out_sorted.reshape(L, N * OP)
    angl_rows = _sc_gather_out(out_rows, pos_l)
    angl = angl_rows.reshape(L, N, OP)[:, :, :2 * K]
    angl_tns = jnp.transpose(angl, (1, 0, 2)).reshape(N, L, K, 2)

    return quat_new, trsl_new, angl_tns, quat_upd

# --- scband reference (transcript-rebuilt; emitter-appended) ---
"""Pipeline reference for scband-frame-angle-head-44375602102621 (READ-ONLY COPY).

The authoritative reference and input builder live on the scoring server;
editing this copy changes nothing except your own understanding.
"""

import jax, jax.numpy as jnp
import numpy as np

N, L, DS, DE, CH, E, K = 4, 1024, 384, 32, 128, 20, 7
C = DS + DE


def quat_mul(q, r):
    w1, x1, y1, z1 = q[..., 0], q[..., 1], q[..., 2], q[..., 3]
    w2, x2, y2, z2 = r[..., 0], r[..., 1], r[..., 2], r[..., 3]
    return jnp.stack([
        w1 * w2 - x1 * x2 - y1 * y2 - z1 * z2,
        w1 * x2 + x1 * w2 + y1 * z2 - z1 * y2,
        w1 * y2 - x1 * z2 + y1 * w2 + z1 * x2,
        w1 * z2 + x1 * y2 - y1 * x2 + z1 * w2,
    ], axis=-1)


def quat_to_rot(q):
    q = q / (jnp.linalg.norm(q, axis=-1, keepdims=True) + 1e-8)
    w, x, y, z = q[..., 0], q[..., 1], q[..., 2], q[..., 3]
    R = jnp.stack([
        1 - 2 * (y * y + z * z), 2 * (x * y - w * z), 2 * (x * z + w * y),
        2 * (x * y + w * z), 1 - 2 * (x * x + z * z), 2 * (y * z - w * x),
        2 * (x * z - w * y), 2 * (y * z + w * x), 1 - 2 * (x * x + y * y),
    ], axis=-1)
    return R.reshape(q.shape[:-1] + (3, 3))


def update_se3_trans(quat_old, trsl_old, quat_upd, trsl_upd):
    qn = quat_upd / (jnp.linalg.norm(quat_upd, axis=-1, keepdims=True) + 1e-8)
    quat_new = quat_mul(quat_old, qn)
    rot_old = quat_to_rot(quat_old)
    trsl_new = trsl_old + jnp.einsum('...ij,...j->...i', rot_old, trsl_upd)
    return quat_new, trsl_new


def forward(aa_seq, sfea_tns, sfea_tns_init, encd_tns, quat_tns, trsl_tns,
            Wq, bq, Wt, bt,
            aW1, ab1, aW2, ab2,
            rW1a, rb1a, rW1b, rb1b, rW2a, rb2a, rW2b, rb2b,
            aWo, abo):
    sfcd = jnp.concatenate([sfea_tns, encd_tns], axis=2)
    sfcd_init = jnp.concatenate([sfea_tns_init, encd_tns], axis=2)
    quat_upd = sfcd @ Wq + bq
    trsl_upd = sfcd @ Wt + bt
    quat_new, trsl_new = update_se3_trans(quat_tns, trsl_tns, quat_upd, trsl_upd)

    def angle_expert(W1, b1, W2, b2, r1a, c1a, r1b, c1b, r2a, c2a, r2b, c2b, Wo, bo):
        a = jax.nn.relu(sfcd) @ W1 + b1 + jax.nn.relu(sfcd_init) @ W2 + b2
        a = a + (jax.nn.relu(jax.nn.relu(a) @ r1a + c1a) @ r1b + c1b)
        a = a + (jax.nn.relu(jax.nn.relu(a) @ r2a + c2a) @ r2b + c2b)
        o = jax.nn.relu(a) @ Wo + bo
        return o.reshape(sfcd.shape[0], sfcd.shape[1], K, 2)

    all_out = jax.vmap(angle_expert)(aW1, ab1, aW2, ab2, rW1a, rb1a, rW1b, rb1b,
                                     rW2a, rb2a, rW2b, rb2b, aWo, abo)
    onehot = jax.nn.one_hot(aa_seq, E, dtype=sfcd.dtype)
    angl_tns = jnp.einsum('enlkd,le->nlkd', all_out, onehot)
    return quat_new, trsl_new, angl_tns, quat_upd


def setup_inputs(seed=0):
    key = jax.random.key(seed)
    ks = jax.random.split(key, 32)
    inp = {}
    inp['aa_seq'] = jax.random.randint(ks[0], (L,), 0, E, dtype=jnp.int32)
    inp['sfea_tns'] = jax.random.normal(ks[1], (N, L, DS), dtype=jnp.float32)
    inp['sfea_tns_init'] = jax.random.normal(ks[2], (N, L, DS), dtype=jnp.float32)
    inp['encd_tns'] = jax.random.normal(ks[3], (N, L, DE), dtype=jnp.float32)
    q = jax.random.normal(ks[4], (N, L, 4), dtype=jnp.float32)
    inp['quat_tns'] = q / jnp.linalg.norm(q, axis=-1, keepdims=True)
    inp['trsl_tns'] = jax.random.normal(ks[5], (N, L, 3), dtype=jnp.float32)
    s_in = 1.0 / np.sqrt(C)
    s_h = 1.0 / np.sqrt(CH)
    inp['Wq'] = jax.random.normal(ks[6], (C, 4), dtype=jnp.float32) * s_in
    inp['bq'] = jnp.zeros((4,), jnp.float32)
    inp['Wt'] = jax.random.normal(ks[7], (C, 3), dtype=jnp.float32) * s_in
    inp['bt'] = jnp.zeros((3,), jnp.float32)
    inp['aW1'] = jax.random.normal(ks[8], (E, C, CH), dtype=jnp.float32) * s_in
    inp['ab1'] = jnp.zeros((E, CH), jnp.float32)
    inp['aW2'] = jax.random.normal(ks[9], (E, C, CH), dtype=jnp.float32) * s_in
    inp['ab2'] = jnp.zeros((E, CH), jnp.float32)
    inp['rW1a'] = jax.random.normal(ks[10], (E, CH, CH), dtype=jnp.float32) * s_h
    inp['rb1a'] = jnp.zeros((E, CH), jnp.float32)
    inp['rW1b'] = jax.random.normal(ks[11], (E, CH, CH), dtype=jnp.float32) * s_h
    inp['rb1b'] = jnp.zeros((E, CH), jnp.float32)
    inp['rW2a'] = jax.random.normal(ks[12], (E, CH, CH), dtype=jnp.float32) * s_h
    inp['rb2a'] = jnp.zeros((E, CH), jnp.float32)
    inp['rW2b'] = jax.random.normal(ks[13], (E, CH, CH), dtype=jnp.float32) * s_h
    inp['rb2b'] = jnp.zeros((E, CH), jnp.float32)
    inp['aWo'] = jax.random.normal(ks[14], (E, CH, K * 2), dtype=jnp.float32) * s_h
    inp['abo'] = jnp.zeros((E, K * 2), jnp.float32)
    return inp


def reference(aa_seq, sfea_tns, sfea_tns_init, encd_tns, quat_tns, trsl_tns,
              Wq, bq, Wt, bt,
              aW1, ab1, aW2, ab2,
              rW1a, rb1a, rW1b, rb1b, rW2a, rb2a, rW2b, rb2b,
              aWo, abo):
    return forward(aa_seq, sfea_tns, sfea_tns_init, encd_tns, quat_tns, trsl_tns,
                   Wq, bq, Wt, bt,
                   aW1, ab1, aW2, ab2,
                   rW1a, rb1a, rW1b, rb1b, rW2a, rb2a, rW2b, rb2b,
                   aWo, abo)

if __name__ == "__main__":
    import jax
    _d = setup_inputs()
    print(jax.jit(kernel)(*tuple(_d.values())))

</pallas_src>

<mosaic_0001>
#map = affine_map<(d0, d1) -> (0, 0)>
#map1 = affine_map<(d0, d1) -> (0)>
module attributes {stable_mosaic.version = 14 : i64} {
  func.func @k(%arg0: i32, %arg1: i32, %arg2: memref<4096x384xf32, #tpu.memory_space<hbm>>, %arg3: memref<4096x384xf32, #tpu.memory_space<hbm>>, %arg4: memref<1024x128xf32, #tpu.memory_space<hbm>>, %arg5: memref<4096xi32, #tpu.memory_space<hbm>>, %arg6: memref<1024xi32, #tpu.memory_space<hbm>>, %arg7: memref<4096x384xf32, #tpu.memory_space<hbm>>, %arg8: memref<4096x384xf32, #tpu.memory_space<hbm>>, %arg9: memref<1024x128xf32, #tpu.memory_space<hbm>>, %arg10: memref<128xi32, #tpu.memory_space<vmem>>, %arg11: memref<32xi32, #tpu.memory_space<vmem>>, %arg12: memref<128x384xf32, #tpu.memory_space<vmem>>, %arg13: memref<128x384xf32, #tpu.memory_space<vmem>>, %arg14: memref<32x128xf32, #tpu.memory_space<vmem>>, %arg15: memref<!tpu.dma_semaphore, #tpu.memory_space<semaphore_mem>>, %arg16: memref<!tpu.dma_semaphore, #tpu.memory_space<semaphore_mem>>, %arg17: memref<!tpu.dma_semaphore, #tpu.memory_space<semaphore_mem>>) attributes {dimension_semantics = [#tpu.dimension_semantics<core_parallel>, #tpu.dimension_semantics<subcore_parallel>], iteration_bounds = array<i64: 2, 16>, scalar_prefetch = 0 : i64, scratch_operands = 8 : i64, tpu.core_type = #tpu.core_type<sc_vector_subcore>, window_params = [{transform_indices = #map}, {transform_indices = #map}, {transform_indices = #map}, {transform_indices = #map1}, {transform_indices = #map1}, {transform_indices = #map}, {transform_indices = #map}, {transform_indices = #map}]} {
    %mul3A = arith.constant 2 : i32
    %mul3A_0 = arith.muli %arg1, %mul3A : i32
    %add3A = arith.addi %mul3A_0, %arg0 : i32
    %mul3A_1 = arith.constant 128 : i32
    %mul3A_2 = arith.muli %add3A, %mul3A_1 : i32
    %mul3A_3 = arith.constant 32 : i32
    %mul3A_4 = arith.muli %add3A, %mul3A_3 : i32
    "tpu.region"() ({
      %run_scoped3A = tpu.sem_alloc : memref<!tpu.dma_semaphore, #tpu.memory_space<semaphore_mem>>
      %dma_start3A_45 = tpu.memref_slice %arg5[%mul3A_2] : memref<4096xi32, #tpu.memory_space<hbm>> -> memref<128xi32, #tpu.memory_space<hbm>>
      %dma_start3A_46 = tpu.memref_slice %arg5[%mul3A_2] : memref<4096xi32, #tpu.memory_space<hbm>> -> memref<128xi32, #tpu.memory_space<hbm>>
      tpu.enqueue_dma source(%dma_start3A_46 : memref<128xi32, #tpu.memory_space<hbm>>) target(%arg10 : memref<128xi32, #tpu.memory_space<vmem>>) target_semaphore(%run_scoped3A : memref<!tpu.dma_semaphore, #tpu.memory_space<semaphore_mem>>)
      %dma_wait3A_47 = tpu.memref_slice %arg5[%mul3A_2] : memref<4096xi32, #tpu.memory_space<hbm>> -> memref<128xi32, #tpu.memory_space<hbm>>
      %dma_wait3A_48 = tpu.memref_slice %arg5[%mul3A_2] : memref<4096xi32, #tpu.memory_space<hbm>> -> memref<128xi32, #tpu.memory_space<hbm>>
      tpu.wait_dma2 semaphore(%run_scoped3A : memref<!tpu.dma_semaphore, #tpu.memory_space<semaphore_mem>>) src(%dma_wait3A_48 : memref<128xi32, #tpu.memory_space<hbm>>) dst(%arg10 : memref<128xi32, #tpu.memory_space<vmem>>)
      tpu.yield
    }) : () -> ()
    "tpu.region"() ({
      %run_scoped3A = tpu.sem_alloc : memref<!tpu.dma_semaphore, #tpu.memory_space<semaphore_mem>>
      %dma_start3A_45 = tpu.memref_slice %arg6[%mul3A_4] : memref<1024xi32, #tpu.memory_space<hbm>> -> memref<32xi32, #tpu.memory_space<hbm>>
      %dma_start3A_46 = tpu.memref_slice %arg6[%mul3A_4] : memref<1024xi32, #tpu.memory_space<hbm>> -> memref<32xi32, #tpu.memory_space<hbm>>
      tpu.enqueue_dma source(%dma_start3A_46 : memref<32xi32, #tpu.memory_space<hbm>>) target(%arg11 : memref<32xi32, #tpu.memory_space<vmem>>) target_semaphore(%run_scoped3A : memref<!tpu.dma_semaphore, #tpu.memory_space<semaphore_mem>>)
      %dma_wait3A_47 = tpu.memref_slice %arg6[%mul3A_4] : memref<1024xi32, #tpu.memory_space<hbm>> -> memref<32xi32, #tpu.memory_space<hbm>>
      %dma_wait3A_48 = tpu.memref_slice %arg6[%mul3A_4] : memref<1024xi32, #tpu.memory_space<hbm>> -> memref<32xi32, #tpu.memory_space<hbm>>
      tpu.wait_dma2 semaphore(%run_scoped3A : memref<!tpu.dma_semaphore, #tpu.memory_space<semaphore_mem>>) src(%dma_wait3A_48 : memref<32xi32, #tpu.memory_space<hbm>>) dst(%arg11 : memref<32xi32, #tpu.memory_space<vmem>>)
      tpu.yield
    }) : () -> ()
    %dma_start3A = arith.constant 0 : i32
    %dma_start3A_5 = tpu.memref_slice %arg2[%mul3A_2, %dma_start3A] : memref<4096x384xf32, #tpu.memory_space<hbm>> -> memref<128x384xf32, #tpu.memory_space<hbm>>
    %dma_start3A_6 = arith.constant 0 : i32
    %dma_start3A_7 = tpu.memref_slice %arg2[%mul3A_2, %dma_start3A_6] : memref<4096x384xf32, #tpu.memory_space<hbm>> -> memref<128x384xf32, #tpu.memory_space<hbm>>
    tpu.enqueue_dma source(%dma_start3A_7 : memref<128x384xf32, #tpu.memory_space<hbm>>) target(%arg12 : memref<128x384xf32, #tpu.memory_space<vmem>>) target_semaphore(%arg15 : memref<!tpu.dma_semaphore, #tpu.memory_space<semaphore_mem>>)
    %dma_start3A_8 = arith.constant 0 : i32
    %dma_start3A_9 = tpu.memref_slice %arg3[%mul3A_2, %dma_start3A_8] : memref<4096x384xf32, #tpu.memory_space<hbm>> -> memref<128x384xf32, #tpu.memory_space<hbm>>
    %dma_start3A_10 = arith.constant 0 : i32
    %dma_start3A_11 = tpu.memref_slice %arg3[%mul3A_2, %dma_start3A_10] : memref<4096x384xf32, #tpu.memory_space<hbm>> -> memref<128x384xf32, #tpu.memory_space<hbm>>
    tpu.enqueue_dma source(%dma_start3A_11 : memref<128x384xf32, #tpu.memory_space<hbm>>) target(%arg13 : memref<128x384xf32, #tpu.memory_space<vmem>>) target_semaphore(%arg16 : memref<!tpu.dma_semaphore, #tpu.memory_space<semaphore_mem>>)
    %dma_start3A_12 = arith.constant 0 : i32
    %dma_start3A_13 = tpu.memref_slice %arg4[%mul3A_4, %dma_start3A_12] : memref<1024x128xf32, #tpu.memory_space<hbm>> -> memref<32x128xf32, #tpu.memory_space<hbm>>
    %dma_start3A_14 = arith.constant 0 : i32
    %dma_start3A_15 = tpu.memref_slice %arg4[%mul3A_4, %dma_start3A_14] : memref<1024x128xf32, #tpu.memory_space<hbm>> -> memref<32x128xf32, #tpu.memory_space<hbm>>
    tpu.enqueue_dma source(%dma_start3A_15 : memref<32x128xf32, #tpu.memory_space<hbm>>) target(%arg14 : memref<32x128xf32, #tpu.memory_space<vmem>>) target_semaphore(%arg17 : memref<!tpu.dma_semaphore, #tpu.memory_space<semaphore_mem>>)
    %dma_wait3A = arith.constant 0 : i32
    %dma_wait3A_16 = tpu.memref_slice %arg2[%mul3A_2, %dma_wait3A] : memref<4096x384xf32, #tpu.memory_space<hbm>> -> memref<128x384xf32, #tpu.memory_space<hbm>>
    %dma_wait3A_17 = arith.constant 0 : i32
    %dma_wait3A_18 = tpu.memref_slice %arg2[%mul3A_2, %dma_wait3A_17] : memref<4096x384xf32, #tpu.memory_space<hbm>> -> memref<128x384xf32, #tpu.memory_space<hbm>>
    tpu.wait_dma2 semaphore(%arg15 : memref<!tpu.dma_semaphore, #tpu.memory_space<semaphore_mem>>) src(%dma_wait3A_18 : memref<128x384xf32, #tpu.memory_space<hbm>>) dst(%arg12 : memref<128x384xf32, #tpu.memory_space<vmem>>)
    %dma_start3A_19 = arith.constant 0 : i32
    %dma_start3A_20 = arith.constant 0 : i32
    %dma_start3A_21 = tpu.memref_slice %arg7[%dma_start3A_19, %dma_start3A_20] : memref<4096x384xf32, #tpu.memory_space<hbm>> -> memref<4096x384xf32, #tpu.memory_space<hbm>>
    tpu.enqueue_indirect_dma source(%arg12 : memref<128x384xf32, #tpu.memory_space<vmem>>) target(%dma_start3A_21 : memref<4096x384xf32, #tpu.memory_space<hbm>>) offsets(%arg10 : memref<128xi32, #tpu.memory_space<vmem>>) semaphore(%arg15 : memref<!tpu.dma_semaphore, #tpu.memory_space<semaphore_mem>>)
    %dma_wait3A_22 = arith.constant 0 : i32
    %dma_wait3A_23 = tpu.memref_slice %arg3[%mul3A_2, %dma_wait3A_22] : memref<4096x384xf32, #tpu.memory_space<hbm>> -> memref<128x384xf32, #tpu.memory_space<hbm>>
    %dma_wait3A_24 = arith.constant 0 : i32
    %dma_wait3A_25 = tpu.memref_slice %arg3[%mul3A_2, %dma_wait3A_24] : memref<4096x384xf32, #tpu.memory_space<hbm>> -> memref<128x384xf32, #tpu.memory_space<hbm>>
    tpu.wait_dma2 semaphore(%arg16 : memref<!tpu.dma_semaphore, #tpu.memory_space<semaphore_mem>>) src(%dma_wait3A_25 : memref<128x384xf32, #tpu.memory_space<hbm>>) dst(%arg13 : memref<128x384xf32, #tpu.memory_space<vmem>>)
    %dma_start3A_26 = arith.constant 0 : i32
    %dma_start3A_27 = arith.constant 0 : i32
    %dma_start3A_28 = tpu.memref_slice %arg8[%dma_start3A_26, %dma_start3A_27] : memref<4096x384xf32, #tpu.memory_space<hbm>> -> memref<4096x384xf32, #tpu.memory_space<hbm>>
    tpu.enqueue_indirect_dma source(%arg13 : memref<128x384xf32, #tpu.memory_space<vmem>>) target(%dma_start3A_28 : memref<4096x384xf32, #tpu.memory_space<hbm>>) offsets(%arg10 : memref<128xi32, #tpu.memory_space<vmem>>) semaphore(%arg16 : memref<!tpu.dma_semaphore, #tpu.memory_space<semaphore_mem>>)
    %dma_wait3A_29 = arith.constant 0 : i32
    %dma_wait3A_30 = tpu.memref_slice %arg4[%mul3A_4, %dma_wait3A_29] : memref<1024x128xf32, #tpu.memory_space<hbm>> -> memref<32x128xf32, #tpu.memory_space<hbm>>
    %dma_wait3A_31 = arith.constant 0 : i32
    %dma_wait3A_32 = tpu.memref_slice %arg4[%mul3A_4, %dma_wait3A_31] : memref<1024x128xf32, #tpu.memory_space<hbm>> -> memref<32x128xf32, #tpu.memory_space<hbm>>
    tpu.wait_dma2 semaphore(%arg17 : memref<!tpu.dma_semaphore, #tpu.memory_space<semaphore_mem>>) src(%dma_wait3A_32 : memref<32x128xf32, #tpu.memory_space<hbm>>) dst(%arg14 : memref<32x128xf32, #tpu.memory_space<vmem>>)
    %dma_start3A_33 = arith.constant 0 : i32
    %dma_start3A_34 = arith.constant 0 : i32
    %dma_start3A_35 = tpu.memref_slice %arg9[%dma_start3A_33, %dma_start3A_34] : memref<1024x128xf32, #tpu.memory_space<hbm>> -> memref<1024x128xf32, #tpu.memory_space<hbm>>
    tpu.enqueue_indirect_dma source(%arg14 : memref<32x128xf32, #tpu.memory_space<vmem>>) target(%dma_start3A_35 : memref<1024x128xf32, #tpu.memory_space<hbm>>) offsets(%arg11 : memref<32xi32, #tpu.memory_space<vmem>>) semaphore(%arg17 : memref<!tpu.dma_semaphore, #tpu.memory_space<semaphore_mem>>)
    %dma_wait3A_36 = arith.constant 0 : i32
    %dma_wait3A_37 = arith.constant 0 : i32
    %dma_wait3A_38 = tpu.memref_slice %arg7[%dma_wait3A_36, %dma_wait3A_37] : memref<4096x384xf32, #tpu.memory_space<hbm>> -> memref<4096x384xf32, #tpu.memory_space<hbm>>
    tpu.wait_indirect_dma semaphore(%arg15 : memref<!tpu.dma_semaphore, #tpu.memory_space<semaphore_mem>>) src(%arg12 : memref<128x384xf32, #tpu.memory_space<vmem>>) dst(%dma_wait3A_38 : memref<4096x384xf32, #tpu.memory_space<hbm>>)
    %dma_wait3A_39 = arith.constant 0 : i32
    %dma_wait3A_40 = arith.constant 0 : i32
    %dma_wait3A_41 = tpu.memref_slice %arg8[%dma_wait3A_39, %dma_wait3A_40] : memref<4096x384xf32, #tpu.memory_space<hbm>> -> memref<4096x384xf32, #tpu.memory_space<hbm>>
    tpu.wait_indirect_dma semaphore(%arg16 : memref<!tpu.dma_semaphore, #tpu.memory_space<semaphore_mem>>) src(%arg13 : memref<128x384xf32, #tpu.memory_space<vmem>>) dst(%dma_wait3A_41 : memref<4096x384xf32, #tpu.memory_space<hbm>>)
    %dma_wait3A_42 = arith.constant 0 : i32
    %dma_wait3A_43 = arith.constant 0 : i32
    %dma_wait3A_44 = tpu.memref_slice %arg9[%dma_wait3A_42, %dma_wait3A_43] : memref<1024x128xf32, #tpu.memory_space<hbm>> -> memref<1024x128xf32, #tpu.memory_space<hbm>>
    tpu.wait_indirect_dma semaphore(%arg17 : memref<!tpu.dma_semaphore, #tpu.memory_space<semaphore_mem>>) src(%arg14 : memref<32x128xf32, #tpu.memory_space<vmem>>) dst(%dma_wait3A_44 : memref<1024x128xf32, #tpu.memory_space<hbm>>)
    return
  }
}

#map = affine_map<(d0, d1) -> (0, 0)>
#map1 = affine_map<(d0, d1) -> (0)>
module attributes {stable_mosaic.version = 14 : i64} {
  func.func @k(%arg0: i32, %arg1: i32, %arg2: memref<1024x128xf32, #tpu.memory_space<hbm>>, %arg3: memref<1024xi32, #tpu.memory_space<hbm>>, %arg4: memref<1024x128xf32, #tpu.memory_space<hbm>>, %arg5: memref<32xi32, #tpu.memory_space<vmem>>, %arg6: memref<32x128xf32, #tpu.memory_space<vmem>>, %arg7: memref<!tpu.dma_semaphore, #tpu.memory_space<semaphore_mem>>) attributes {dimension_semantics = [#tpu.dimension_semantics<core_parallel>, #tpu.dimension_semantics<subcore_parallel>], iteration_bounds = array<i64: 2, 16>, scalar_prefetch = 0 : i64, scratch_operands = 3 : i64, tpu.core_type = #tpu.core_type<sc_vector_subcore>, window_params = [{transform_indices = #map}, {transform_indices = #map1}, {transform_indices = #map}]} {
    %mul3A = arith.constant 2 : i32
    %mul3A_0 = arith.muli %arg1, %mul3A : i32
    %add3A = arith.addi %mul3A_0, %arg0 : i32
    %mul3A_1 = arith.constant 32 : i32
    %mul3A_2 = arith.muli %add3A, %mul3A_1 : i32
    "tpu.region"() ({
      %run_scoped3A = tpu.sem_alloc : memref<!tpu.dma_semaphore, #tpu.memory_space<semaphore_mem>>
      %dma_start3A_7 = tpu.memref_slice %arg3[%mul3A_2] : memref<1024xi32, #tpu.memory_space<hbm>> -> memref<32xi32, #tpu.memory_space<hbm>>
      %dma_start3A_8 = tpu.memref_slice %arg3[%mul3A_2] : memref<1024xi32, #tpu.memory_space<hbm>> -> memref<32xi32, #tpu.memory_space<hbm>>
      tpu.enqueue_dma source(%dma_start3A_8 : memref<32xi32, #tpu.memory_space<hbm>>) target(%arg5 : memref<32xi32, #tpu.memory_space<vmem>>) target_semaphore(%run_scoped3A : memref<!tpu.dma_semaphore, #tpu.memory_space<semaphore_mem>>)
      %dma_wait3A_9 = tpu.memref_slice %arg3[%mul3A_2] : memref<1024xi32, #tpu.memory_space<hbm>> -> memref<32xi32, #tpu.memory_space<hbm>>
      %dma_wait3A_10 = tpu.memref_slice %arg3[%mul3A_2] : memref<1024xi32, #tpu.memory_space<hbm>> -> memref<32xi32, #tpu.memory_space<hbm>>
      tpu.wait_dma2 semaphore(%run_scoped3A : memref<!tpu.dma_semaphore, #tpu.memory_space<semaphore_mem>>) src(%dma_wait3A_10 : memref<32xi32, #tpu.memory_space<hbm>>) dst(%arg5 : memref<32xi32, #tpu.memory_space<vmem>>)
      tpu.yield
    }) : () -> ()
    %dma_start3A = arith.constant 0 : i32
    %dma_start3A_3 = arith.constant 0 : i32
    %dma_start3A_4 = tpu.memref_slice %arg2[%dma_start3A, %dma_start3A_3] : memref<1024x128xf32, #tpu.memory_space<hbm>> -> memref<1024x128xf32, #tpu.memory_space<hbm>>
    tpu.enqueue_indirect_dma source(%dma_start3A_4 : memref<1024x128xf32, #tpu.memory_space<hbm>>) target(%arg6 : memref<32x128xf32, #tpu.memory_space<vmem>>) offsets(%arg5 : memref<32xi32, #tpu.memory_space<vmem>>) semaphore(%arg7 : memref<!tpu.dma_semaphore, #tpu.memory_space<semaphore_mem>>)
    %dma_wait3A = arith.constant 0 : i32
    %dma_wait3A_5 = arith.constant 0 : i32
    %dma_wait3A_6 = tpu.memref_slice %arg2[%dma_wait3A, %dma_wait3A_5] : memref<1024x128xf32, #tpu.memory_space<hbm>> -> memref<1024x128xf32, #tpu.memory_space<hbm>>
    tpu.wait_indirect_dma semaphore(%arg7 : memref<!tpu.dma_semaphore, #tpu.memory_space<semaphore_mem>>) src(%dma_wait3A_6 : memref<1024x128xf32, #tpu.memory_space<hbm>>) dst(%arg6 : memref<32x128xf32, #tpu.memory_space<vmem>>)
    "tpu.region"() ({
      %run_scoped3A = tpu.sem_alloc : memref<!tpu.dma_semaphore, #tpu.memory_space<semaphore_mem>>
      %dma_start3A_7 = arith.constant 0 : i32
      %dma_start3A_8 = tpu.memref_slice %arg4[%mul3A_2, %dma_start3A_7] : memref<1024x128xf32, #tpu.memory_space<hbm>> -> memref<32x128xf32, #tpu.memory_space<hbm>>
      %dma_start3A_9 = arith.constant 0 : i32
      %dma_start3A_10 = tpu.memref_slice %arg4[%mul3A_2, %dma_start3A_9] : memref<1024x128xf32, #tpu.memory_space<hbm>> -> memref<32x128xf32, #tpu.memory_space<hbm>>
      tpu.enqueue_dma source(%arg6 : memref<32x128xf32, #tpu.memory_space<vmem>>) target(%dma_start3A_10 : memref<32x128xf32, #tpu.memory_space<hbm>>) target_semaphore(%run_scoped3A : memref<!tpu.dma_semaphore, #tpu.memory_space<semaphore_mem>>)
      %dma_wait3A_11 = arith.constant 0 : i32
      %dma_wait3A_12 = tpu.memref_slice %arg4[%mul3A_2, %dma_wait3A_11] : memref<1024x128xf32, #tpu.memory_space<hbm>> -> memref<32x128xf32, #tpu.memory_space<hbm>>
      %dma_wait3A_13 = arith.constant 0 : i32
      %dma_wait3A_14 = tpu.memref_slice %arg4[%mul3A_2, %dma_wait3A_13] : memref<1024x128xf32, #tpu.memory_space<hbm>> -> memref<32x128xf32, #tpu.memory_space<hbm>>
      tpu.wait_dma2 semaphore(%run_scoped3A : memref<!tpu.dma_semaphore, #tpu.memory_space<semaphore_mem>>) src(%arg6 : memref<32x128xf32, #tpu.memory_space<vmem>>) dst(%dma_wait3A_14 : memref<32x128xf32, #tpu.memory_space<hbm>>)
      tpu.yield
    }) : () -> ()
    return
  }
}

module attributes {stable_mosaic.version = 14 : i64} {
  func.func @_routing_body(%arg0: memref<1x1024xi32, #tpu.memory_space<vmem>>, %arg1: memref<4x1024x32xf32, #tpu.memory_space<vmem>>, %arg2: memref<8x384xf32, #tpu.memory_space<vmem>>, %arg3: memref<8x32xf32, #tpu.memory_space<vmem>>, %arg4: memref<4096x384xf32, #tpu.memory_space<vmem>>, %arg5: memref<4096x32xf32, #tpu.memory_space<vmem>>, %arg6: memref<4x4096xf32, #tpu.memory_space<vmem>>, %arg7: memref<3x4096xf32, #tpu.memory_space<vmem>>, %arg8: memref<5x27xi32, #tpu.memory_space<vmem>>, %arg9: memref<1x1024xi32, #tpu.memory_space<vmem>>, %arg10: memref<4x1024xi32, #tpu.memory_space<vmem>>, %arg11: memref<1024x128xf32, #tpu.memory_space<vmem>>, %arg12: memref<4x4096xf32, #tpu.memory_space<vmem>>, %arg13: memref<3x4096xf32, #tpu.memory_space<vmem>>, %arg14: memref<4x4096xf32, #tpu.memory_space<vmem>>) attributes {dimension_semantics = [], scalar_prefetch = 0 : i64, scratch_operands = 0 : i64, tpu.core_type = #tpu.core_type<tc>} {
    %get3A = arith.constant 0 : index
    %get3A_0 = arith.constant 0 : index
    %get3A_1 = arith.constant 0 : index
    %get3A_2 = vector.load %arg1[%get3A, %get3A_0, %get3A_1] : memref<4x1024x32xf32, #tpu.memory_space<vmem>>, vector<1x1024x32xf32>
    %get3A_3 = vector.shape_cast %get3A_2 : vector<1x1024x32xf32> to vector<1024x32xf32>
    %swap3A = arith.constant 0 : index
    %swap3A_4 = arith.constant 0 : index
    %swap3A_5 = vector.load %arg11[%swap3A, %swap3A_4] : memref<1024x128xf32, #tpu.memory_space<vmem>>, vector<1024x32xf32>
    tpu.vector_store %arg11[%swap3A, %swap3A_4], %get3A_3 {strides = array<i32>} : memref<1024x128xf32, #tpu.memory_space<vmem>>, vector<1024x32xf32>,
    %get3A_6 = arith.constant 1 : index
    %get3A_7 = arith.constant 0 : index
    %get3A_8 = arith.constant 0 : index
    %get3A_9 = vector.load %arg1[%get3A_6, %get3A_7, %get3A_8] : memref<4x1024x32xf32, #tpu.memory_space<vmem>>, vector<1x1024x32xf32>
    %get3A_10 = vector.shape_cast %get3A_9 : vector<1x1024x32xf32> to vector<1024x32xf32>
    %swap3A_11 = arith.constant 0 : index
    %swap3A_12 = arith.constant 32 : index
    %swap3A_13 = vector.load %arg11[%swap3A_11, %swap3A_12] : memref<1024x128xf32, #tpu.memory_space<vmem>>, vector<1024x32xf32>
    tpu.vector_store %arg11[%swap3A_11, %swap3A_12], %get3A_10 {strides = array<i32>} : memref<1024x128xf32, #tpu.memory_space<vmem>>, vector<1024x32xf32>,
    %get3A_14 = arith.constant 2 : index
    %get3A_15 = arith.constant 0 : index
    %get3A_16 = arith.constant 0 : index
    %get3A_17 = vector.load %arg1[%get3A_14, %get3A_15, %get3A_16] : memref<4x1024x32xf32, #tpu.memory_space<vmem>>, vector<1x1024x32xf32>
    %get3A_18 = vector.shape_cast %get3A_17 : vector<1x1024x32xf32> to vector<1024x32xf32>
    %swap3A_19 = arith.constant 0 : index
    %swap3A_20 = arith.constant 64 : index
    %swap3A_21 = vector.load %arg11[%swap3A_19, %swap3A_20] : memref<1024x128xf32, #tpu.memory_space<vmem>>, vector<1024x32xf32>
    tpu.vector_store %arg11[%swap3A_19, %swap3A_20], %get3A_18 {strides = array<i32>} : memref<1024x128xf32, #tpu.memory_space<vmem>>, vector<1024x32xf32>,
    %get3A_22 = arith.constant 3 : index
    %get3A_23 = arith.constant 0 : index
    %get3A_24 = arith.constant 0 : index
    %get3A_25 = vector.load %arg1[%get3A_22, %get3A_23, %get3A_24] : memref<4x1024x32xf32, #tpu.memory_space<vmem>>, vector<1x1024x32xf32>
    %get3A_26 = vector.shape_cast %get3A_25 : vector<1x1024x32xf32> to vector<1024x32xf32>
    %swap3A_27 = arith.constant 0 : index
    %swap3A_28 = arith.constant 96 : index
    %swap3A_29 = vector.load %arg11[%swap3A_27, %swap3A_28] : memref<1024x128xf32, #tpu.memory_space<vmem>>, vector<1024x32xf32>
    tpu.vector_store %arg11[%swap3A_27, %swap3A_28], %get3A_26 {strides = array<i32>} : memref<1024x128xf32, #tpu.memory_space<vmem>>, vector<1024x32xf32>,
    %get3A_30 = arith.constant 0 : index
    %get3A_31 = arith.constant 0 : index
    %get3A_32 = vector.load %arg2[%get3A_30, %get3A_31] : memref<8x384xf32, #tpu.memory_space<vmem>>, vector<8x384xf32>
    %get3A_33 = arith.constant 0 : index
    %get3A_34 = arith.constant 0 : index
    %get3A_35 = vector.load %arg4[%get3A_33, %get3A_34] : memref<4096x384xf32, #tpu.memory_space<vmem>>, vector<4096x384xf32>
    %dot_general3A = arith.constant dense<0.000000e+00> : vector<8x4096xf32>
    %dot_general3A_36 = tpu.matmul %get3A_32, %get3A_35, %dot_general3A {dimension_numbers = #tpu.dot_dimension_numbers<[1], [1], [0], [0], [0, 0, 1, 0], [], []>, transpose_lhs_hint = false} : vector<8x384xf32>, vector<4096x384xf32>, vector<8x4096xf32> -> vector<8x4096xf32>
    %get3A_37 = arith.constant 0 : index
    %get3A_38 = arith.constant 0 : index
    %get3A_39 = vector.load %arg3[%get3A_37, %get3A_38] : memref<8x32xf32, #tpu.memory_space<vmem>>, vector<8x32xf32>
    %get3A_40 = arith.constant 0 : index
    %get3A_41 = arith.constant 0 : index
    %get3A_42 = vector.load %arg5[%get3A_40, %get3A_41] : memref<4096x32xf32, #tpu.memory_space<vmem>>, vector<4096x32xf32>
    %dot_general3A_43 = arith.constant dense<0.000000e+00> : vector<8x4096xf32>
    %dot_general3A_44 = tpu.matmul %get3A_39, %get3A_42, %dot_general3A_43 {dimension_numbers = #tpu.dot_dimension_numbers<[1], [1], [0], [0], [0, 0, 1, 0], [], []>, transpose_lhs_hint = false} : vector<8x32xf32>, vector<4096x32xf32>, vector<8x4096xf32> -> vector<8x4096xf32>
    %add3A = arith.addf %dot_general3A_36, %dot_general3A_44 : vector<8x4096xf32>
    %slice3A = vector.extract_strided_slice %add3A {offsets = [0, 0], sizes = [4, 4096], strides = [1, 1]} : vector<8x4096xf32> to vector<4x4096xf32>
    %slice3A_45 = vector.extract_strided_slice %add3A {offsets = [4, 0], sizes = [3, 4096], strides = [1, 1]} : vector<8x4096xf32> to vector<3x4096xf32>
    %swap3A_46 = arith.constant 0 : index
    %swap3A_47 = arith.constant 0 : index
    %swap3A_48 = vector.load %arg14[%swap3A_46, %swap3A_47] : memref<4x4096xf32, #tpu.memory_space<vmem>>, vector<4x4096xf32>
    tpu.vector_store %arg14[%swap3A_46, %swap3A_47], %slice3A {strides = array<i32>} : memref<4x4096xf32, #tpu.memory_space<vmem>>, vector<4x4096xf32>,
    %get3A_49 = arith.constant 0 : index
    %get3A_50 = arith.constant 0 : index
    %get3A_51 = vector.load %arg6[%get3A_49, %get3A_50] : memref<4x4096xf32, #tpu.memory_space<vmem>>, vector<4x4096xf32>
    %get3A_52 = arith.constant 0 : index
    %get3A_53 = arith.constant 0 : index
    %get3A_54 = vector.load %arg7[%get3A_52, %get3A_53] : memref<3x4096xf32, #tpu.memory_space<vmem>>, vector<3x4096xf32>
    %mul3A = arith.mulf %slice3A, %slice3A : vector<4x4096xf32>
    %reduce_sum3A = arith.constant dense<0.000000e+00> : vector<4096xf32>
    %reduce_sum3A_55 = vector.multi_reduction <add>, %mul3A, %reduce_sum3A [0] : vector<4x4096xf32> to vector<4096xf32>
    %broadcast_in_dim3A = vector.shape_cast %reduce_sum3A_55 : vector<4096xf32> to vector<1x4096xf32>
    %sqrt3A = math.sqrt %broadcast_in_dim3A : vector<1x4096xf32>
    %add3A_56 = arith.constant 9.99999993E-9 : f32
    %add3A_57 = vector.broadcast %add3A_56 : f32 to vector<1x4096xf32>
    %add3A_58 = arith.addf %sqrt3A, %add3A_57 : vector<1x4096xf32>
    %div3A = vector.broadcast %add3A_58 : vector<1x4096xf32> to vector<4x4096xf32>
    %div3A_59 = arith.divf %slice3A, %div3A : vector<4x4096xf32>
    %slice3A_60 = vector.extract_strided_slice %div3A_59 {offsets = [0, 0], sizes = [1, 4096], strides = [1, 1]} : vector<4x4096xf32> to vector<1x4096xf32>
    %slice3A_61 = vector.extract_strided_slice %div3A_59 {offsets = [1, 0], sizes = [1, 4096], strides = [1, 1]} : vector<4x4096xf32> to vector<1x4096xf32>
    %slice3A_62 = vector.extract_strided_slice %div3A_59 {offsets = [2, 0], sizes = [1, 4096], strides = [1, 1]} : vector<4x4096xf32> to vector<1x4096xf32>
    %slice3A_63 = vector.extract_strided_slice %div3A_59 {offsets = [3, 0], sizes = [1, 4096], strides = [1, 1]} : vector<4x4096xf32> to vector<1x4096xf32>
    %slice3A_64 = vector.extract_strided_slice %get3A_51 {offsets = [0, 0], sizes = [1, 4096], strides = [1, 1]} : vector<4x4096xf32> to vector<1x4096xf32>
    %slice3A_65 = vector.extract_strided_slice %get3A_51 {offsets = [1, 0], sizes = [1, 4096], strides = [1, 1]} : vector<4x4096xf32> to vector<1x4096xf32>
    %slice3A_66 = vector.extract_strided_slice %get3A_51 {offsets = [2, 0], sizes = [1, 4096], strides = [1, 1]} : vector<4x4096xf32> to vector<1x4096xf32>
    %slice3A_67 = vector.extract_strided_slice %get3A_51 {offsets = [3, 0], sizes = [1, 4096], strides = [1, 1]} : vector<4x4096xf32> to vector<1x4096xf32>
    %mul3A_68 = arith.mulf %slice3A_64, %slice3A_60 : vector<1x4096xf32>
    %mul3A_69 = arith.mulf %slice3A_65, %slice3A_61 : vector<1x4096xf32>
    %sub3A = arith.subf %mul3A_68, %mul3A_69 : vector<1x4096xf32>
    %mul3A_70 = arith.mulf %slice3A_66, %slice3A_62 : vector<1x4096xf32>
    %sub3A_71 = arith.subf %sub3A, %mul3A_70 : vector<1x4096xf32>
    %mul3A_72 = arith.mulf %slice3A_67, %slice3A_63 : vector<1x4096xf32>
    %sub3A_73 = arith.subf %sub3A_71, %mul3A_72 : vector<1x4096xf32>
    %swap3A_74 = arith.constant 0 : index
    %swap3A_75 = arith.constant 0 : index
    %swap3A_76 = vector.load %arg12[%swap3A_74, %swap3A_75] : memref<4x4096xf32, #tpu.memory_space<vmem>>, vector<1x4096xf32>
    tpu.vector_store %arg12[%swap3A_74, %swap3A_75], %sub3A_73 {strides = array<i32>} : memref<4x4096xf32, #tpu.memory_space<vmem>>, vector<1x4096xf32>,
    %mul3A_77 = arith.mulf %slice3A_64, %slice3A_61 : vector<1x4096xf32>
    %mul3A_78 = arith.mulf %slice3A_65, %slice3A_60 : vector<1x4096xf32>
    %add3A_79 = arith.addf %mul3A_77, %mul3A_78 : vector<1x4096xf32>
    %mul3A_80 = arith.mulf %slice3A_66, %slice3A_63 : vector<1x4096xf32>
    %add3A_81 = arith.addf %add3A_79, %mul3A_80 : vector<1x4096xf32>
    %mul3A_82 = arith.mulf %slice3A_67, %slice3A_62 : vector<1x4096xf32>
    %sub3A_83 = arith.subf %add3A_81, %mul3A_82 : vector<1x4096xf32>
    %swap3A_84 = arith.constant 1 : index
    %swap3A_85 = arith.constant 0 : index
    %swap3A_86 = vector.load %arg12[%swap3A_84, %swap3A_85] : memref<4x4096xf32, #tpu.memory_space<vmem>>, vector<1x4096xf32>
    tpu.vector_store %arg12[%swap3A_84, %swap3A_85], %sub3A_83 {strides = array<i32>} : memref<4x4096xf32, #tpu.memory_space<vmem>>, vector<1x4096xf32>,
    %mul3A_87 = arith.mulf %slice3A_64, %slice3A_62 : vector<1x4096xf32>
    %mul3A_88 = arith.mulf %slice3A_65, %slice3A_63 : vector<1x4096xf32>
    %sub3A_89 = arith.subf %mul3A_87, %mul3A_88 : vector<1x4096xf32>
    %mul3A_90 = arith.mulf %slice3A_66, %slice3A_60 : vector<1x4096xf32>
    %add3A_91 = arith.addf %sub3A_89, %mul3A_90 : vector<1x4096xf32>
    %mul3A_92 = arith.mulf %slice3A_67, %slice3A_61 : vector<1x4096xf32>
    %add3A_93 = arith.addf %add3A_91, %mul3A_92 : vector<1x4096xf32>
    %swap3A_94 = arith.constant 2 : index
    %swap3A_95 = arith.constant 0 : index
    %swap3A_96 = vector.load %arg12[%swap3A_94, %swap3A_95] : memref<4x4096xf32, #tpu.memory_space<vmem>>, vector<1x4096xf32>
    tpu.vector_store %arg12[%swap3A_94, %swap3A_95], %add3A_93 {strides = array<i32>} : memref<4x4096xf32, #tpu.memory_space<vmem>>, vector<1x4096xf32>,
    %mul3A_97 = arith.mulf %slice3A_64, %slice3A_63 : vector<1x4096xf32>
    %mul3A_98 = arith.mulf %slice3A_65, %slice3A_62 : vector<1x4096xf32>
    %add3A_99 = arith.addf %mul3A_97, %mul3A_98 : vector<1x4096xf32>
    %mul3A_100 = arith.mulf %slice3A_66, %slice3A_61 : vector<1x4096xf32>
    %sub3A_101 = arith.subf %add3A_99, %mul3A_100 : vector<1x4096xf32>
    %mul3A_102 = arith.mulf %slice3A_67, %slice3A_60 : vector<1x4096xf32>
    %add3A_103 = arith.addf %sub3A_101, %mul3A_102 : vector<1x4096xf32>
    %swap3A_104 = arith.constant 3 : index
    %swap3A_105 = arith.constant 0 : index
    %swap3A_106 = vector.load %arg12[%swap3A_104, %swap3A_105] : memref<4x4096xf32, #tpu.memory_space<vmem>>, vector<1x4096xf32>
    tpu.vector_store %arg12[%swap3A_104, %swap3A_105], %add3A_103 {strides = array<i32>} : memref<4x4096xf32, #tpu.memory_space<vmem>>, vector<1x4096xf32>,
    %mul3A_107 = arith.mulf %get3A_51, %get3A_51 : vector<4x4096xf32>
    %reduce_sum3A_108 = arith.constant dense<0.000000e+00> : vector<4096xf32>
    %reduce_sum3A_109 = vector.multi_reduction <add>, %mul3A_107, %reduce_sum3A_108 [0] : vector<4x4096xf32> to vector<4096xf32>
    %broadcast_in_dim3A_110 = vector.shape_cast %reduce_sum3A_109 : vector<4096xf32> to vector<1x4096xf32>
    %sqrt3A_111 = math.sqrt %broadcast_in_dim3A_110 : vector<1x4096xf32>
    %add3A_112 = arith.constant 9.99999993E-9 : f32
    %add3A_113 = vector.broadcast %add3A_112 : f32 to vector<1x4096xf32>
    %add3A_114 = arith.addf %sqrt3A_111, %add3A_113 : vector<1x4096xf32>
    %div3A_115 = vector.broadcast %add3A_114 : vector<1x4096xf32> to vector<4x4096xf32>
    %div3A_116 = arith.divf %get3A_51, %div3A_115 : vector<4x4096xf32>
    %slice3A_117 = vector.extract_strided_slice %div3A_116 {offsets = [0, 0], sizes = [1, 4096], strides = [1, 1]} : vector<4x4096xf32> to vector<1x4096xf32>
    %slice3A_118 = vector.extract_strided_slice %div3A_116 {offsets = [1, 0], sizes = [1, 4096], strides = [1, 1]} : vector<4x4096xf32> to vector<1x4096xf32>
    %slice3A_119 = vector.extract_strided_slice %div3A_116 {offsets = [2, 0], sizes = [1, 4096], strides = [1, 1]} : vector<4x4096xf32> to vector<1x4096xf32>
    %slice3A_120 = vector.extract_strided_slice %div3A_116 {offsets = [3, 0], sizes = [1, 4096], strides = [1, 1]} : vector<4x4096xf32> to vector<1x4096xf32>
    %slice3A_121 = vector.extract_strided_slice %slice3A_45 {offsets = [0, 0], sizes = [1, 4096], strides = [1, 1]} : vector<3x4096xf32> to vector<1x4096xf32>
    %slice3A_122 = vector.extract_strided_slice %slice3A_45 {offsets = [1, 0], sizes = [1, 4096], strides = [1, 1]} : vector<3x4096xf32> to vector<1x4096xf32>
    %slice3A_123 = vector.extract_strided_slice %slice3A_45 {offsets = [2, 0], sizes = [1, 4096], strides = [1, 1]} : vector<3x4096xf32> to vector<1x4096xf32>
    %slice3A_124 = vector.extract_strided_slice %get3A_54 {offsets = [0, 0], sizes = [1, 4096], strides = [1, 1]} : vector<3x4096xf32> to vector<1x4096xf32>
    %mul3A_125 = arith.mulf %slice3A_119, %slice3A_119 : vector<1x4096xf32>
    %mul3A_126 = arith.mulf %slice3A_120, %slice3A_120 : vector<1x4096xf32>
    %add3A_127 = arith.addf %mul3A_125, %mul3A_126 : vector<1x4096xf32>
    %mul3A_128 = arith.constant 2.000000e+00 : f32
    %mul3A_129 = vector.broadcast %mul3A_128 : f32 to vector<1x4096xf32>
    %mul3A_130 = arith.mulf %mul3A_129, %add3A_127 : vector<1x4096xf32>
    %sub3A_131 = arith.constant 1.000000e+00 : f32
    %sub3A_132 = vector.broadcast %sub3A_131 : f32 to vector<1x4096xf32>
    %sub3A_133 = arith.subf %sub3A_132, %mul3A_130 : vector<1x4096xf32>
    %mul3A_134 = arith.mulf %sub3A_133, %slice3A_121 : vector<1x4096xf32>
    %mul3A_135 = arith.mulf %slice3A_118, %slice3A_119 : vector<1x4096xf32>
    %mul3A_136 = arith.mulf %slice3A_117, %slice3A_120 : vector<1x4096xf32>
    %sub3A_137 = arith.subf %mul3A_135, %mul3A_136 : vector<1x4096xf32>
    %mul3A_138 = arith.constant 2.000000e+00 : f32
    %mul3A_139 = vector.broadcast %mul3A_138 : f32 to vector<1x4096xf32>
    %mul3A_140 = arith.mulf %mul3A_139, %sub3A_137 : vector<1x4096xf32>
    %mul3A_141 = arith.mulf %mul3A_140, %slice3A_122 : vector<1x4096xf32>
    %add3A_142 = arith.addf %mul3A_134, %mul3A_141 : vector<1x4096xf32>
    %mul3A_143 = arith.mulf %slice3A_118, %slice3A_120 : vector<1x4096xf32>
    %mul3A_144 = arith.mulf %slice3A_117, %slice3A_119 : vector<1x4096xf32>
    %add3A_145 = arith.addf %mul3A_143, %mul3A_144 : vector<1x4096xf32>
    %mul3A_146 = arith.constant 2.000000e+00 : f32
    %mul3A_147 = vector.broadcast %mul3A_146 : f32 to vector<1x4096xf32>
    %mul3A_148 = arith.mulf %mul3A_147, %add3A_145 : vector<1x4096xf32>
    %mul3A_149 = arith.mulf %mul3A_148, %slice3A_123 : vector<1x4096xf32>
    %add3A_150 = arith.addf %add3A_142, %mul3A_149 : vector<1x4096xf32>
    %add3A_151 = arith.addf %slice3A_124, %add3A_150 : vector<1x4096xf32>
    %swap3A_152 = arith.constant 0 : index
    %swap3A_153 = arith.constant 0 : index
    %swap3A_154 = vector.load %arg13[%swap3A_152, %swap3A_153] : memref<3x4096xf32, #tpu.memory_space<vmem>>, vector<1x4096xf32>
    tpu.vector_store %arg13[%swap3A_152, %swap3A_153], %add3A_151 {strides = array<i32>} : memref<3x4096xf32, #tpu.memory_space<vmem>>, vector<1x4096xf32>,
    %slice3A_155 = vector.extract_strided_slice %get3A_54 {offsets = [1, 0], sizes = [1, 4096], strides = [1, 1]} : vector<3x4096xf32> to vector<1x4096xf32>
    %mul3A_156 = arith.mulf %slice3A_118, %slice3A_119 : vector<1x4096xf32>
    %mul3A_157 = arith.mulf %slice3A_117, %slice3A_120 : vector<1x4096xf32>
    %add3A_158 = arith.addf %mul3A_156, %mul3A_157 : vector<1x4096xf32>
    %mul3A_159 = arith.constant 2.000000e+00 : f32
    %mul3A_160 = vector.broadcast %mul3A_159 : f32 to vector<1x4096xf32>
    %mul3A_161 = arith.mulf %mul3A_160, %add3A_158 : vector<1x4096xf32>
    %mul3A_162 = arith.mulf %mul3A_161, %slice3A_121 : vector<1x4096xf32>
    %mul3A_163 = arith.mulf %slice3A_118, %slice3A_118 : vector<1x4096xf32>
    %mul3A_164 = arith.mulf %slice3A_120, %slice3A_120 : vector<1x4096xf32>
    %add3A_165 = arith.addf %mul3A_163, %mul3A_164 : vector<1x4096xf32>
    %mul3A_166 = arith.constant 2.000000e+00 : f32
    %mul3A_167 = vector.broadcast %mul3A_166 : f32 to vector<1x4096xf32>
    %mul3A_168 = arith.mulf %mul3A_167, %add3A_165 : vector<1x4096xf32>
    %sub3A_169 = arith.constant 1.000000e+00 : f32
    %sub3A_170 = vector.broadcast %sub3A_169 : f32 to vector<1x4096xf32>
    %sub3A_171 = arith.subf %sub3A_170, %mul3A_168 : vector<1x4096xf32>
    %mul3A_172 = arith.mulf %sub3A_171, %slice3A_122 : vector<1x4096xf32>
    %add3A_173 = arith.addf %mul3A_162, %mul3A_172 : vector<1x4096xf32>
    %mul3A_174 = arith.mulf %slice3A_119, %slice3A_120 : vector<1x4096xf32>
    %mul3A_175 = arith.mulf %slice3A_117, %slice3A_118 : vector<1x4096xf32>
    %sub3A_176 = arith.subf %mul3A_174, %mul3A_175 : vector<1x4096xf32>
    %mul3A_177 = arith.constant 2.000000e+00 : f32
    %mul3A_178 = vector.broadcast %mul3A_177 : f32 to vector<1x4096xf32>
    %mul3A_179 = arith.mulf %mul3A_178, %sub3A_176 : vector<1x4096xf32>
    %mul3A_180 = arith.mulf %mul3A_179, %slice3A_123 : vector<1x4096xf32>
    %add3A_181 = arith.addf %add3A_173, %mul3A_180 : vector<1x4096xf32>
    %add3A_182 = arith.addf %slice3A_155, %add3A_181 : vector<1x4096xf32>
    %swap3A_183 = arith.constant 1 : index
    %swap3A_184 = arith.constant 0 : index
    %swap3A_185 = vector.load %arg13[%swap3A_183, %swap3A_184] : memref<3x4096xf32, #tpu.memory_space<vmem>>, vector<1x4096xf32>
    tpu.vector_store %arg13[%swap3A_183, %swap3A_184], %add3A_182 {strides = array<i32>} : memref<3x4096xf32, #tpu.memory_space<vmem>>, vector<1x4096xf32>,
    %slice3A_186 = vector.extract_strided_slice %get3A_54 {offsets = [2, 0], sizes = [1, 4096], strides = [1, 1]} : vector<3x4096xf32> to vector<1x4096xf32>
    %mul3A_187 = arith.mulf %slice3A_118, %slice3A_120 : vector<1x4096xf32>
    %mul3A_188 = arith.mulf %slice3A_117, %slice3A_119 : vector<1x4096xf32>
    %sub3A_189 = arith.subf %mul3A_187, %mul3A_188 : vector<1x4096xf32>
    %mul3A_190 = arith.constant 2.000000e+00 : f32
    %mul3A_191 = vector.broadcast %mul3A_190 : f32 to vector<1x4096xf32>
    %mul3A_192 = arith.mulf %mul3A_191, %sub3A_189 : vector<1x4096xf32>
    %mul3A_193 = arith.mulf %mul3A_192, %slice3A_121 : vector<1x4096xf32>
    %mul3A_194 = arith.mulf %slice3A_119, %slice3A_120 : vector<1x4096xf32>
    %mul3A_195 = arith.mulf %slice3A_117, %slice3A_118 : vector<1x4096xf32>
    %add3A_196 = arith.addf %mul3A_194, %mul3A_195 : vector<1x4096xf32>
    %mul3A_197 = arith.constant 2.000000e+00 : f32
    %mul3A_198 = vector.broadcast %mul3A_197 : f32 to vector<1x4096xf32>
    %mul3A_199 = arith.mulf %mul3A_198, %add3A_196 : vector<1x4096xf32>
    %mul3A_200 = arith.mulf %mul3A_199, %slice3A_122 : vector<1x4096xf32>
    %add3A_201 = arith.addf %mul3A_193, %mul3A_200 : vector<1x4096xf32>
    %mul3A_202 = arith.mulf %slice3A_118, %slice3A_118 : vector<1x4096xf32>
    %mul3A_203 = arith.mulf %slice3A_119, %slice3A_119 : vector<1x4096xf32>
    %add3A_204 = arith.addf %mul3A_202, %mul3A_203 : vector<1x4096xf32>
    %mul3A_205 = arith.constant 2.000000e+00 : f32
    %mul3A_206 = vector.broadcast %mul3A_205 : f32 to vector<1x4096xf32>
    %mul3A_207 = arith.mulf %mul3A_206, %add3A_204 : vector<1x4096xf32>
    %sub3A_208 = arith.constant 1.000000e+00 : f32
    %sub3A_209 = vector.broadcast %sub3A_208 : f32 to vector<1x4096xf32>
    %sub3A_210 = arith.subf %sub3A_209, %mul3A_207 : vector<1x4096xf32>
    %mul3A_211 = arith.mulf %sub3A_210, %slice3A_123 : vector<1x4096xf32>
    %add3A_212 = arith.addf %add3A_201, %mul3A_211 : vector<1x4096xf32>
    %add3A_213 = arith.addf %slice3A_186, %add3A_212 : vector<1x4096xf32>
    %swap3A_214 = arith.constant 2 : index
    %swap3A_215 = arith.constant 0 : index
    %swap3A_216 = vector.load %arg13[%swap3A_214, %swap3A_215] : memref<3x4096xf32, #tpu.memory_space<vmem>>, vector<1x4096xf32>
    tpu.vector_store %arg13[%swap3A_214, %swap3A_215], %add3A_213 {strides = array<i32>} : memref<3x4096xf32, #tpu.memory_space<vmem>>, vector<1x4096xf32>,
    %get3A_217 = arith.constant 0 : index
    %get3A_218 = arith.constant 0 : index
    %get3A_219 = vector.load %arg0[%get3A_217, %get3A_218] : memref<1x1024xi32, #tpu.memory_space<vmem>>, vector<1x1024xi32>
    %iota3A = tpu.iota {dimensions = array<i32: 0>} : vector<20x1xi32>
    %eq3A = vector.broadcast %get3A_219 : vector<1x1024xi32> to vector<20x1024xi32>
    %eq3A_220 = vector.broadcast %iota3A : vector<20x1xi32> to vector<20x1024xi32>
    %eq3A_221 = arith.cmpi eq, %eq3A, %eq3A_220 : vector<20x1024xi32>
    %convert_element_type3A = arith.extui %eq3A_221 : vector<20x1024xi1> to vector<20x1024xi32>
    %convert_element_type3A_222 = arith.sitofp %convert_element_type3A : vector<20x1024xi32> to vector<20x1024xf32>
    %iota3A_223 = tpu.iota {dimensions = array<i32: 0>} : vector<1024x1024xi32>
    %iota3A_224 = tpu.iota {dimensions = array<i32: 1>} : vector<1024x1024xi32>
    %lt3A = arith.cmpi slt, %iota3A_223, %iota3A_224 : vector<1024x1024xi32>
    %convert_element_type3A_225 = arith.extui %lt3A : vector<1024x1024xi1> to vector<1024x1024xi32>
    %convert_element_type3A_226 = arith.sitofp %convert_element_type3A_225 : vector<1024x1024xi32> to vector<1024x1024xf32>
    %dot_general3A_227 = arith.constant dense<0.000000e+00> : vector<20x1024xf32>
    %dot_general3A_228 = tpu.matmul %convert_element_type3A_222, %convert_element_type3A_226, %dot_general3A_227 {dimension_numbers = #tpu.dot_dimension_numbers<[1], [0], [0], [1], [0, 0, 1, 1], [], []>, transpose_lhs_hint = false} : vector<20x1024xf32>, vector<1024x1024xf32>, vector<20x1024xf32> -> vector<20x1024xf32>
    %reduce_sum3A_229 = arith.constant dense<0.000000e+00> : vector<20xf32>
    %reduce_sum3A_230 = vector.multi_reduction <add>, %convert_element_type3A_222, %reduce_sum3A_229 [1] : vector<20x1024xf32> to vector<20xf32>
    %broadcast_in_dim3A_231 = vector.shape_cast %reduce_sum3A_230 : vector<20xf32> to vector<20x1xf32>
    %iota3A_232 = tpu.iota {dimensions = array<i32: 0>} : vector<20x20xi32>
    %iota3A_233 = tpu.iota {dimensions = array<i32: 1>} : vector<20x20xi32>
    %lt3A_234 = arith.cmpi slt, %iota3A_233, %iota3A_232 : vector<20x20xi32>
    %convert_element_type3A_235 = arith.extui %lt3A_234 : vector<20x20xi1> to vector<20x20xi32>
    %convert_element_type3A_236 = arith.sitofp %convert_element_type3A_235 : vector<20x20xi32> to vector<20x20xf32>
    %dot_general3A_237 = arith.constant dense<0.000000e+00> : vector<20x1xf32>
    %dot_general3A_238 = tpu.matmul %convert_element_type3A_236, %broadcast_in_dim3A_231, %dot_general3A_237 {dimension_numbers = #tpu.dot_dimension_numbers<[1], [0], [0], [1], [0, 0, 1, 1], [], []>, transpose_lhs_hint = false} : vector<20x20xf32>, vector<20x1xf32>, vector<20x1xf32> -> vector<20x1xf32>
    %mul3A_239 = arith.mulf %convert_element_type3A_222, %dot_general3A_228 : vector<20x1024xf32>
    %reduce_sum3A_240 = arith.constant dense<0.000000e+00> : vector<1024xf32>
    %reduce_sum3A_241 = vector.multi_reduction <add>, %mul3A_239, %reduce_sum3A_240 [0] : vector<20x1024xf32> to vector<1024xf32>
    %broadcast_in_dim3A_242 = vector.shape_cast %reduce_sum3A_241 : vector<1024xf32> to vector<1x1024xf32>
    %mul3A_243 = vector.broadcast %dot_general3A_238 : vector<20x1xf32> to vector<20x1024xf32>
    %mul3A_244 = arith.mulf %convert_element_type3A_222, %mul3A_243 : vector<20x1024xf32>
    %reduce_sum3A_245 = arith.constant dense<0.000000e+00> : vector<1024xf32>
    %reduce_sum3A_246 = vector.multi_reduction <add>, %mul3A_244, %reduce_sum3A_245 [0] : vector<20x1024xf32> to vector<1024xf32>
    %broadcast_in_dim3A_247 = vector.shape_cast %reduce_sum3A_246 : vector<1024xf32> to vector<1x1024xf32>
    %add3A_248 = arith.addf %broadcast_in_dim3A_242, %broadcast_in_dim3A_247 : vector<1x1024xf32>
    %convert_element_type3A_249 = arith.fptosi %add3A_248 : vector<1x1024xf32> to vector<1x1024xi32>
    %swap3A_250 = arith.constant 0 : index
    %swap3A_251 = arith.constant 0 : index
    %swap3A_252 = vector.load %arg9[%swap3A_250, %swap3A_251] : memref<1x1024xi32, #tpu.memory_space<vmem>>, vector<1x1024xi32>
    tpu.vector_store %arg9[%swap3A_250, %swap3A_251], %convert_element_type3A_249 {strides = array<i32>} : memref<1x1024xi32, #tpu.memory_space<vmem>>, vector<1x1024xi32>,
    %iota3A_253 = tpu.iota {dimensions = array<i32: 0>} : vector<4x1xi32>
    %mul3A_254 = arith.constant 4 : i32
    %mul3A_255 = vector.broadcast %mul3A_254 : i32 to vector<1x1024xi32>
    %mul3A_256 = arith.muli %convert_element_type3A_249, %mul3A_255 : vector<1x1024xi32>
    %add3A_257 = vector.broadcast %mul3A_256 : vector<1x1024xi32> to vector<4x1024xi32>
    %add3A_258 = vector.broadcast %iota3A_253 : vector<4x1xi32> to vector<4x1024xi32>
    %add3A_259 = arith.addi %add3A_257, %add3A_258 : vector<4x1024xi32>
    %swap3A_260 = arith.constant 0 : index
    %swap3A_261 = arith.constant 0 : index
    %swap3A_262 = vector.load %arg10[%swap3A_260, %swap3A_261] : memref<4x1024xi32, #tpu.memory_space<vmem>>, vector<4x1024xi32>
    tpu.vector_store %arg10[%swap3A_260, %swap3A_261], %add3A_259 {strides = array<i32>} : memref<4x1024xi32, #tpu.memory_space<vmem>>, vector<4x1024xi32>,
    %convert_element_type3A_263 = arith.fptosi %broadcast_in_dim3A_231 : vector<20x1xf32> to vector<20x1xi32>
    %convert_element_type3A_264 = arith.fptosi %dot_general3A_238 : vector<20x1xf32> to vector<20x1xi32>
    %mul3A_265 = arith.constant 4 : i32
    %mul3A_266 = vector.broadcast %mul3A_265 : i32 to vector<20x1xi32>
    %mul3A_267 = arith.muli %convert_element_type3A_264, %mul3A_266 : vector<20x1xi32>
    %mul3A_268 = arith.constant 4 : i32
    %mul3A_269 = vector.broadcast %mul3A_268 : i32 to vector<20x1xi32>
    %mul3A_270 = arith.muli %convert_element_type3A_263, %mul3A_269 : vector<20x1xi32>
    %add3A_271 = arith.addi %mul3A_267, %mul3A_270 : vector<20x1xi32>
    %jit3A = arith.constant 512 : i32
    %div3A_272 = vector.broadcast %jit3A : i32 to vector<20x1xi32>
    %div3A_273 = arith.divsi %mul3A_267, %div3A_272 : vector<20x1xi32>
    %sign3A = arith.constant 0 : i32
    %sign3A_274 = vector.broadcast %sign3A : i32 to vector<20x1xi32>
    %sign3A_275 = arith.cmpi sgt, %mul3A_267, %sign3A_274 : vector<20x1xi32>
    %sign3A_276 = arith.extui %sign3A_275 : vector<20x1xi1> to vector<20x1xi32>
    %sign3A_277 = arith.constant 0 : i32
    %sign3A_278 = vector.broadcast %sign3A_277 : i32 to vector<20x1xi32>
    %sign3A_279 = arith.cmpi slt, %mul3A_267, %sign3A_278 : vector<20x1xi32>
    %sign3A_280 = arith.extui %sign3A_279 : vector<20x1xi1> to vector<20x1xi32>
    %sign3A_281 = arith.subi %sign3A_276, %sign3A_280 : vector<20x1xi32>
    %sign3A_282 = arith.constant 0 : i32
    %sign3A_283 = arith.cmpi sgt, %jit3A, %sign3A_282 : i32
    %sign3A_284 = arith.extui %sign3A_283 : i1 to i32
    %sign3A_285 = arith.constant 0 : i32
    %sign3A_286 = arith.cmpi slt, %jit3A, %sign3A_285 : i32
    %sign3A_287 = arith.extui %sign3A_286 : i1 to i32
    %sign3A_288 = arith.subi %sign3A_284, %sign3A_287 : i32
    %ne3A = vector.broadcast %sign3A_288 : i32 to vector<20x1xi32>
    %ne3A_289 = arith.cmpi ne, %sign3A_281, %ne3A : vector<20x1xi32>
    %rem3A = vector.broadcast %jit3A : i32 to vector<20x1xi32>
    %rem3A_290 = arith.remsi %mul3A_267, %rem3A : vector<20x1xi32>
    %ne3A_291 = arith.constant 0 : i32
    %ne3A_292 = vector.broadcast %ne3A_291 : i32 to vector<20x1xi32>
    %ne3A_293 = arith.cmpi ne, %rem3A_290, %ne3A_292 : vector<20x1xi32>
    %and3A = arith.andi %ne3A_289, %ne3A_293 : vector<20x1xi1>
    %sub3A_294 = arith.constant 1 : i32
    %sub3A_295 = vector.broadcast %sub3A_294 : i32 to vector<20x1xi32>
    %sub3A_296 = arith.subi %div3A_273, %sub3A_295 : vector<20x1xi32>
    %select_n3A = arith.select %and3A, %sub3A_296, %div3A_273 : vector<20x1xi1>, vector<20x1xi32>
    %add3A_297 = arith.constant 511 : i32
    %add3A_298 = vector.broadcast %add3A_297 : i32 to vector<20x1xi32>
    %add3A_299 = arith.addi %add3A_271, %add3A_298 : vector<20x1xi32>
    %jit3A_300 = arith.constant 512 : i32
    %div3A_301 = vector.broadcast %jit3A_300 : i32 to vector<20x1xi32>
    %div3A_302 = arith.divsi %add3A_299, %div3A_301 : vector<20x1xi32>
    %sign3A_303 = arith.constant 0 : i32
    %sign3A_304 = vector.broadcast %sign3A_303 : i32 to vector<20x1xi32>
    %sign3A_305 = arith.cmpi sgt, %add3A_299, %sign3A_304 : vector<20x1xi32>
    %sign3A_306 = arith.extui %sign3A_305 : vector<20x1xi1> to vector<20x1xi32>
    %sign3A_307 = arith.constant 0 : i32
    %sign3A_308 = vector.broadcast %sign3A_307 : i32 to vector<20x1xi32>
    %sign3A_309 = arith.cmpi slt, %add3A_299, %sign3A_308 : vector<20x1xi32>
    %sign3A_310 = arith.extui %sign3A_309 : vector<20x1xi1> to vector<20x1xi32>
    %sign3A_311 = arith.subi %sign3A_306, %sign3A_310 : vector<20x1xi32>
    %sign3A_312 = arith.constant 0 : i32
    %sign3A_313 = arith.cmpi sgt, %jit3A_300, %sign3A_312 : i32
    %sign3A_314 = arith.extui %sign3A_313 : i1 to i32
    %sign3A_315 = arith.constant 0 : i32
    %sign3A_316 = arith.cmpi slt, %jit3A_300, %sign3A_315 : i32
    %sign3A_317 = arith.extui %sign3A_316 : i1 to i32
    %sign3A_318 = arith.subi %sign3A_314, %sign3A_317 : i32
    %ne3A_319 = vector.broadcast %sign3A_318 : i32 to vector<20x1xi32>
    %ne3A_320 = arith.cmpi ne, %sign3A_311, %ne3A_319 : vector<20x1xi32>
    %rem3A_321 = vector.broadcast %jit3A_300 : i32 to vector<20x1xi32>
    %rem3A_322 = arith.remsi %add3A_299, %rem3A_321 : vector<20x1xi32>
    %ne3A_323 = arith.constant 0 : i32
    %ne3A_324 = vector.broadcast %ne3A_323 : i32 to vector<20x1xi32>
    %ne3A_325 = arith.cmpi ne, %rem3A_322, %ne3A_324 : vector<20x1xi32>
    %and3A_326 = arith.andi %ne3A_320, %ne3A_325 : vector<20x1xi1>
    %sub3A_327 = arith.constant 1 : i32
    %sub3A_328 = vector.broadcast %sub3A_327 : i32 to vector<20x1xi32>
    %sub3A_329 = arith.subi %div3A_302, %sub3A_328 : vector<20x1xi32>
    %select_n3A_330 = arith.select %and3A_326, %sub3A_329, %div3A_302 : vector<20x1xi1>, vector<20x1xi32>
    %gt3A = arith.constant 0 : i32
    %gt3A_331 = vector.broadcast %gt3A : i32 to vector<20x1xi32>
    %gt3A_332 = arith.cmpi sgt, %convert_element_type3A_263, %gt3A_331 : vector<20x1xi32>
    %sub3A_333 = arith.subi %select_n3A_330, %select_n3A : vector<20x1xi32>
    %jit3A_334 = arith.constant 0 : i32
    %broadcast_in_dim3A_335 = vector.broadcast %jit3A_334 : i32 to vector<20x1xi32>
    %select_n3A_336 = arith.select %gt3A_332, %sub3A_333, %broadcast_in_dim3A_335 : vector<20x1xi1>, vector<20x1xi32>
    %le3A = arith.cmpi sle, %iota3A_233, %iota3A_232 : vector<20x20xi32>
    %convert_element_type3A_337 = arith.extui %le3A : vector<20x20xi1> to vector<20x20xi32>
    %convert_element_type3A_338 = arith.sitofp %convert_element_type3A_337 : vector<20x20xi32> to vector<20x20xf32>
    %convert_element_type3A_339 = arith.sitofp %select_n3A_336 : vector<20x1xi32> to vector<20x1xf32>
    %dot_general3A_340 = arith.constant dense<0.000000e+00> : vector<20x1xf32>
    %dot_general3A_341 = tpu.matmul %convert_element_type3A_338, %convert_element_type3A_339, %dot_general3A_340 {dimension_numbers = #tpu.dot_dimension_numbers<[1], [0], [0], [1], [0, 0, 1, 1], [], []>, transpose_lhs_hint = false} : vector<20x20xf32>, vector<20x1xf32>, vector<20x1xf32> -> vector<20x1xf32>
    %convert_element_type3A_342 = arith.fptosi %dot_general3A_341 : vector<20x1xf32> to vector<20x1xi32>
    %iota3A_343 = tpu.iota {dimensions = array<i32: 1>} : vector<1x27xi32>
    %le3A_344 = vector.broadcast %convert_element_type3A_342 : vector<20x1xi32> to vector<20x27xi32>
    %le3A_345 = vector.broadcast %iota3A_343 : vector<1x27xi32> to vector<20x27xi32>
    %le3A_346 = arith.cmpi sle, %le3A_344, %le3A_345 : vector<20x27xi32>
    %convert_element_type3A_347 = arith.extui %le3A_346 : vector<20x27xi1> to vector<20x27xi32>
    %reduce_sum3A_348 = arith.constant dense<0> : vector<27xi32>
    %reduce_sum3A_349 = vector.multi_reduction <add>, %convert_element_type3A_347, %reduce_sum3A_348 [0] : vector<20x27xi32> to vector<27xi32>
    %broadcast_in_dim3A_350 = vector.shape_cast %reduce_sum3A_349 : vector<27xi32> to vector<1x27xi32>
    %min3A = arith.constant 19 : i32
    %min3A_351 = vector.broadcast %min3A : i32 to vector<1x27xi32>
    %min3A_352 = arith.minsi %broadcast_in_dim3A_350, %min3A_351 : vector<1x27xi32>
    %eq3A_353 = vector.broadcast %iota3A : vector<20x1xi32> to vector<20x27xi32>
    %eq3A_354 = vector.broadcast %min3A_352 : vector<1x27xi32> to vector<20x27xi32>
    %eq3A_355 = arith.cmpi eq, %eq3A_353, %eq3A_354 : vector<20x27xi32>
    %convert_element_type3A_356 = arith.extui %eq3A_355 : vector<20x27xi1> to vector<20x27xi32>
    %sub3A_357 = arith.subi %convert_element_type3A_342, %select_n3A_336 : vector<20x1xi32>
    %mul3A_358 = vector.broadcast %sub3A_357 : vector<20x1xi32> to vector<20x27xi32>
    %mul3A_359 = arith.muli %convert_element_type3A_356, %mul3A_358 : vector<20x27xi32>
    %reduce_sum3A_360 = arith.constant dense<0> : vector<27xi32>
    %reduce_sum3A_361 = vector.multi_reduction <add>, %mul3A_359, %reduce_sum3A_360 [0] : vector<20x27xi32> to vector<27xi32>
    %broadcast_in_dim3A_362 = vector.shape_cast %reduce_sum3A_361 : vector<27xi32> to vector<1x27xi32>
    %sub3A_363 = arith.subi %iota3A_343, %broadcast_in_dim3A_362 : vector<1x27xi32>
    %mul3A_364 = vector.broadcast %select_n3A : vector<20x1xi32> to vector<20x27xi32>
    %mul3A_365 = arith.muli %convert_element_type3A_356, %mul3A_364 : vector<20x27xi32>
    %reduce_sum3A_366 = arith.constant dense<0> : vector<27xi32>
    %reduce_sum3A_367 = vector.multi_reduction <add>, %mul3A_365, %reduce_sum3A_366 [0] : vector<20x27xi32> to vector<27xi32>
    %broadcast_in_dim3A_368 = vector.shape_cast %reduce_sum3A_367 : vector<27xi32> to vector<1x27xi32>
    %add3A_369 = arith.addi %broadcast_in_dim3A_368, %sub3A_363 : vector<1x27xi32>
    %mul3A_370 = vector.broadcast %mul3A_267 : vector<20x1xi32> to vector<20x27xi32>
    %mul3A_371 = arith.muli %convert_element_type3A_356, %mul3A_370 : vector<20x27xi32>
    %reduce_sum3A_372 = arith.constant dense<0> : vector<27xi32>
    %reduce_sum3A_373 = vector.multi_reduction <add>, %mul3A_371, %reduce_sum3A_372 [0] : vector<20x27xi32> to vector<27xi32>
    %broadcast_in_dim3A_374 = vector.shape_cast %reduce_sum3A_373 : vector<27xi32> to vector<1x27xi32>
    %mul3A_375 = arith.constant 512 : i32
    %mul3A_376 = vector.broadcast %mul3A_375 : i32 to vector<1x27xi32>
    %mul3A_377 = arith.muli %add3A_369, %mul3A_376 : vector<1x27xi32>
    %sub3A_378 = arith.subi %broadcast_in_dim3A_374, %mul3A_377 : vector<1x27xi32>
    %jit3A_379 = arith.constant 0 : i32
    %jit3A_380 = arith.constant 512 : i32
    %max3A = vector.broadcast %jit3A_379 : i32 to vector<1x27xi32>
    %max3A_381 = arith.maxsi %max3A, %sub3A_378 : vector<1x27xi32>
    %min3A_382 = vector.broadcast %jit3A_380 : i32 to vector<1x27xi32>
    %min3A_383 = arith.minsi %min3A_382, %max3A_381 : vector<1x27xi32>
    %mul3A_384 = vector.broadcast %add3A_271 : vector<20x1xi32> to vector<20x27xi32>
    %mul3A_385 = arith.muli %convert_element_type3A_356, %mul3A_384 : vector<20x27xi32>
    %reduce_sum3A_386 = arith.constant dense<0> : vector<27xi32>
    %reduce_sum3A_387 = vector.multi_reduction <add>, %mul3A_385, %reduce_sum3A_386 [0] : vector<20x27xi32> to vector<27xi32>
    %broadcast_in_dim3A_388 = vector.shape_cast %reduce_sum3A_387 : vector<27xi32> to vector<1x27xi32>
    %mul3A_389 = arith.constant 512 : i32
    %mul3A_390 = vector.broadcast %mul3A_389 : i32 to vector<1x27xi32>
    %mul3A_391 = arith.muli %add3A_369, %mul3A_390 : vector<1x27xi32>
    %sub3A_392 = arith.subi %broadcast_in_dim3A_388, %mul3A_391 : vector<1x27xi32>
    %jit3A_393 = arith.constant 0 : i32
    %jit3A_394 = arith.constant 512 : i32
    %max3A_395 = vector.broadcast %jit3A_393 : i32 to vector<1x27xi32>
    %max3A_396 = arith.maxsi %max3A_395, %sub3A_392 : vector<1x27xi32>
    %min3A_397 = vector.broadcast %jit3A_394 : i32 to vector<1x27xi32>
    %min3A_398 = arith.minsi %min3A_397, %max3A_396 : vector<1x27xi32>
    %eq3A_399 = arith.constant 19 : i32
    %eq3A_400 = vector.broadcast %eq3A_399 : i32 to vector<20x1xi32>
    %eq3A_401 = arith.cmpi eq, %iota3A, %eq3A_400 : vector<20x1xi32>
    %convert_element_type3A_402 = arith.extui %eq3A_401 : vector<20x1xi1> to vector<20x1xi32>
    %mul3A_403 = arith.muli %convert_element_type3A_342, %convert_element_type3A_402 : vector<20x1xi32>
    %reduce_sum3A_404 = arith.constant dense<0> : vector<1xi32>
    %reduce_sum3A_405 = vector.multi_reduction <add>, %mul3A_403, %reduce_sum3A_404 [0] : vector<20x1xi32> to vector<1xi32>
    %broadcast_in_dim3A_406 = vector.shape_cast %reduce_sum3A_405 : vector<1xi32> to vector<1x1xi32>
    %lt3A_407 = vector.broadcast %broadcast_in_dim3A_406 : vector<1x1xi32> to vector<1x27xi32>
    %lt3A_408 = arith.cmpi slt, %iota3A_343, %lt3A_407 : vector<1x27xi32>
    %jit3A_409 = arith.constant 7 : i32
    %broadcast_in_dim3A_410 = vector.broadcast %jit3A_409 : i32 to vector<1x27xi32>
    %select_n3A_411 = arith.select %lt3A_408, %add3A_369, %broadcast_in_dim3A_410 : vector<1x27xi1>, vector<1x27xi32>
    %jit3A_412 = arith.constant 19 : i32
    %broadcast_in_dim3A_413 = vector.broadcast %jit3A_412 : i32 to vector<1x27xi32>
    %select_n3A_414 = arith.select %lt3A_408, %min3A_352, %broadcast_in_dim3A_413 : vector<1x27xi1>, vector<1x27xi32>
    %jit3A_415 = arith.constant 0 : i32
    %broadcast_in_dim3A_416 = vector.broadcast %jit3A_415 : i32 to vector<1x27xi32>
    %select_n3A_417 = arith.select %lt3A_408, %min3A_383, %broadcast_in_dim3A_416 : vector<1x27xi1>, vector<1x27xi32>
    %jit3A_418 = arith.constant 0 : i32
    %broadcast_in_dim3A_419 = vector.broadcast %jit3A_418 : i32 to vector<1x27xi32>
    %select_n3A_420 = arith.select %lt3A_408, %min3A_398, %broadcast_in_dim3A_419 : vector<1x27xi1>, vector<1x27xi32>
    %iota3A_421 = tpu.iota {dimensions = array<i32: 0>} : vector<27x27xi32>
    %iota3A_422 = tpu.iota {dimensions = array<i32: 1>} : vector<27x27xi32>
    %sub3A_423 = arith.constant 1 : i32
    %sub3A_424 = vector.broadcast %sub3A_423 : i32 to vector<27x27xi32>
    %sub3A_425 = arith.subi %iota3A_422, %sub3A_424 : vector<27x27xi32>
    %eq3A_426 = arith.cmpi eq, %iota3A_421, %sub3A_425 : vector<27x27xi32>
    %convert_element_type3A_427 = arith.extui %eq3A_426 : vector<27x27xi1> to vector<27x27xi32>
    %convert_element_type3A_428 = arith.sitofp %convert_element_type3A_427 : vector<27x27xi32> to vector<27x27xf32>
    %convert_element_type3A_429 = arith.sitofp %select_n3A_411 : vector<1x27xi32> to vector<1x27xf32>
    %dot_general3A_430 = arith.constant dense<0.000000e+00> : vector<1x27xf32>
    %dot_general3A_431 = tpu.matmul %convert_element_type3A_429, %convert_element_type3A_428, %dot_general3A_430 {dimension_numbers = #tpu.dot_dimension_numbers<[1], [0], [0], [1], [0, 0, 1, 1], [], []>, transpose_lhs_hint = false} : vector<1x27xf32>, vector<27x27xf32>, vector<1x27xf32> -> vector<1x27xf32>
    %convert_element_type3A_432 = arith.fptosi %dot_general3A_431 : vector<1x27xf32> to vector<1x27xi32>
    %ne3A_433 = arith.cmpi ne, %select_n3A_411, %convert_element_type3A_432 : vector<1x27xi32>
    %eq3A_434 = arith.constant 0 : i32
    %eq3A_435 = vector.broadcast %eq3A_434 : i32 to vector<1x27xi32>
    %eq3A_436 = arith.cmpi eq, %iota3A_343, %eq3A_435 : vector<1x27xi32>
    %or3A = arith.ori %ne3A_433, %eq3A_436 : vector<1x27xi1>
    %and3A_437 = arith.andi %lt3A_408, %or3A : vector<1x27xi1>
    %convert_element_type3A_438 = arith.extui %and3A_437 : vector<1x27xi1> to vector<1x27xi32>
    %swap3A_439 = arith.constant 0 : index
    %swap3A_440 = arith.constant 0 : index
    %swap3A_441 = vector.load %arg8[%swap3A_439, %swap3A_440] : memref<5x27xi32, #tpu.memory_space<vmem>>, vector<1x27xi32>
    tpu.vector_store %arg8[%swap3A_439, %swap3A_440], %select_n3A_411 {strides = array<i32>} : memref<5x27xi32, #tpu.memory_space<vmem>>, vector<1x27xi32>,
    %swap3A_442 = arith.constant 1 : index
    %swap3A_443 = arith.constant 0 : index
    %swap3A_444 = vector.load %arg8[%swap3A_442, %swap3A_443] : memref<5x27xi32, #tpu.memory_space<vmem>>, vector<1x27xi32>
    tpu.vector_store %arg8[%swap3A_442, %swap3A_443], %select_n3A_414 {strides = array<i32>} : memref<5x27xi32, #tpu.memory_space<vmem>>, vector<1x27xi32>,
    %swap3A_445 = arith.constant 2 : index
    %swap3A_446 = arith.constant 0 : index
    %swap3A_447 = vector.load %arg8[%swap3A_445, %swap3A_446] : memref<5x27xi32, #tpu.memory_space<vmem>>, vector<1x27xi32>
    tpu.vector_store %arg8[%swap3A_445, %swap3A_446], %select_n3A_417 {strides = array<i32>} : memref<5x27xi32, #tpu.memory_space<vmem>>, vector<1x27xi32>,
    %swap3A_448 = arith.constant 3 : index
    %swap3A_449 = arith.constant 0 : index
    %swap3A_450 = vector.load %arg8[%swap3A_448, %swap3A_449] : memref<5x27xi32, #tpu.memory_space<vmem>>, vector<1x27xi32>
    tpu.vector_store %arg8[%swap3A_448, %swap3A_449], %select_n3A_420 {strides = array<i32>} : memref<5x27xi32, #tpu.memory_space<vmem>>, vector<1x27xi32>,
    %swap3A_451 = arith.constant 4 : index
    %swap3A_452 = arith.constant 0 : index
    %swap3A_453 = vector.load %arg8[%swap3A_451, %swap3A_452] : memref<5x27xi32, #tpu.memory_space<vmem>>, vector<1x27xi32>
    tpu.vector_store %arg8[%swap3A_451, %swap3A_452], %convert_element_type3A_438 {strides = array<i32>} : memref<5x27xi32, #tpu.memory_space<vmem>>, vector<1x27xi32>,
    return
  }
}

module attributes {stable_mosaic.version = 14 : i64} {
  func.func @_mlp_body(%arg0: i32, %arg1: memref<5x27xi32, #tpu.memory_space<smem>>, %arg2: memref<512x384xf32, #tpu.memory_space<vmem>>, %arg3: memref<512x384xf32, #tpu.memory_space<vmem>>, %arg4: memref<512x32xf32, #tpu.memory_space<vmem>>, %arg5: memref<1x416x128xf32, #tpu.memory_space<vmem>>, %arg6: memref<1x416x128xf32, #tpu.memory_space<vmem>>, %arg7: memref<1x128x128xf32, #tpu.memory_space<vmem>>, %arg8: memref<1x128x128xf32, #tpu.memory_space<vmem>>, %arg9: memref<1x128x128xf32, #tpu.memory_space<vmem>>, %arg10: memref<1x128x128xf32, #tpu.memory_space<vmem>>, %arg11: memref<1x128x14xf32, #tpu.memory_space<vmem>>, %arg12: memref<512x32xf32, #tpu.memory_space<vmem>>) attributes {dimension_semantics = [#tpu.dimension_semantics<arbitrary>], iteration_bounds = array<i64: 27>, scalar_prefetch = 1 : i64, scratch_operands = 0 : i64, tpu.core_type = #tpu.core_type<tc>, window_params = [{transform_indices = @transform_0, window_bounds = array<i64: 512, 384>}, {transform_indices = @transform_1, window_bounds = array<i64: 512, 384>}, {transform_indices = @transform_2, window_bounds = array<i64: 512, 32>}, {transform_indices = @transform_3, window_bounds = array<i64: 1, 416, 128>}, {transform_indices = @transform_4, window_bounds = array<i64: 1, 416, 128>}, {transform_indices = @transform_5, window_bounds = array<i64: 1, 128, 128>}, {transform_indices = @transform_6, window_bounds = array<i64: 1, 128, 128>}, {transform_indices = @transform_7, window_bounds = array<i64: 1, 128, 128>}, {transform_indices = @transform_8, window_bounds = array<i64: 1, 128, 128>}, {transform_indices = @transform_9, window_bounds = array<i64: 1, 128, 14>}, {transform_indices = @transform_10, window_bounds = array<i64: 512, 32>}]} {
    %get3A = arith.constant 2 : index
    %get3A_0 = arith.index_cast %arg0 : i32 to index
    %get3A_1 = memref.load %arg1[%get3A, %get3A_0] : memref<5x27xi32, #tpu.memory_space<smem>>
    %get3A_2 = arith.constant 3 : index
    %get3A_3 = arith.index_cast %arg0 : i32 to index
    %get3A_4 = memref.load %arg1[%get3A_2, %get3A_3] : memref<5x27xi32, #tpu.memory_space<smem>>
    %get3A_5 = arith.constant 4 : index
    %get3A_6 = arith.index_cast %arg0 : i32 to index
    %get3A_7 = memref.load %arg1[%get3A_5, %get3A_6] : memref<5x27xi32, #tpu.memory_space<smem>>
    %get3A_8 = arith.constant 0 : index
    %get3A_9 = arith.constant 0 : index
    %get3A_10 = arith.constant 0 : index
    %get3A_11 = vector.load %arg5[%get3A_8, %get3A_9, %get3A_10] : memref<1x416x128xf32, #tpu.memory_space<vmem>>, vector<1x384x128xf32>
    %get3A_12 = vector.shape_cast %get3A_11 : vector<1x384x128xf32> to vector<384x128xf32>
    %convert_element_type3A = arith.truncf %get3A_12 : vector<384x128xf32> to vector<384x128xbf16>
    %get3A_13 = arith.constant 0 : index
    %get3A_14 = arith.constant 0 : index
    %get3A_15 = arith.constant 0 : index
    %get3A_16 = vector.load %arg6[%get3A_13, %get3A_14, %get3A_15] : memref<1x416x128xf32, #tpu.memory_space<vmem>>, vector<1x384x128xf32>
    %get3A_17 = vector.shape_cast %get3A_16 : vector<1x384x128xf32> to vector<384x128xf32>
    %convert_element_type3A_18 = arith.truncf %get3A_17 : vector<384x128xf32> to vector<384x128xbf16>
    %get3A_19 = arith.constant 0 : index
    %get3A_20 = arith.constant 384 : index
    %get3A_21 = arith.constant 0 : index
    %get3A_22 = vector.load %arg5[%get3A_19, %get3A_20, %get3A_21] : memref<1x416x128xf32, #tpu.memory_space<vmem>>, vector<1x32x128xf32>
    %get3A_23 = vector.shape_cast %get3A_22 : vector<1x32x128xf32> to vector<32x128xf32>
    %get3A_24 = arith.constant 0 : index
    %get3A_25 = arith.constant 384 : index
    %get3A_26 = arith.constant 0 : index
    %get3A_27 = vector.load %arg6[%get3A_24, %get3A_25, %get3A_26] : memref<1x416x128xf32, #tpu.memory_space<vmem>>, vector<1x32x128xf32>
    %get3A_28 = vector.shape_cast %get3A_27 : vector<1x32x128xf32> to vector<32x128xf32>
    %add3A = arith.addf %get3A_23, %get3A_28 : vector<32x128xf32>
    %convert_element_type3A_29 = arith.truncf %add3A : vector<32x128xf32> to vector<32x128xbf16>
    %get3A_30 = arith.constant 0 : index
    %get3A_31 = arith.constant 0 : index
    %get3A_32 = arith.constant 0 : index
    %get3A_33 = vector.load %arg7[%get3A_30, %get3A_31, %get3A_32] : memref<1x128x128xf32, #tpu.memory_space<vmem>>, vector<1x128x128xf32>
    %get3A_34 = vector.shape_cast %get3A_33 : vector<1x128x128xf32> to vector<128x128xf32>
    %convert_element_type3A_35 = arith.truncf %get3A_34 : vector<128x128xf32> to vector<128x128xbf16>
    %get3A_36 = arith.constant 0 : index
    %get3A_37 = arith.constant 0 : index
    %get3A_38 = arith.constant 0 : index
    %get3A_39 = vector.load %arg8[%get3A_36, %get3A_37, %get3A_38] : memref<1x128x128xf32, #tpu.memory_space<vmem>>, vector<1x128x128xf32>
    %get3A_40 = vector.shape_cast %get3A_39 : vector<1x128x128xf32> to vector<128x128xf32>
    %convert_element_type3A_41 = arith.truncf %get3A_40 : vector<128x128xf32> to vector<128x128xbf16>
    %get3A_42 = arith.constant 0 : index
    %get3A_43 = arith.constant 0 : index
    %get3A_44 = arith.constant 0 : index
    %get3A_45 = vector.load %arg9[%get3A_42, %get3A_43, %get3A_44] : memref<1x128x128xf32, #tpu.memory_space<vmem>>, vector<1x128x128xf32>
    %get3A_46 = vector.shape_cast %get3A_45 : vector<1x128x128xf32> to vector<128x128xf32>
    %convert_element_type3A_47 = arith.truncf %get3A_46 : vector<128x128xf32> to vector<128x128xbf16>
    %get3A_48 = arith.constant 0 : index
    %get3A_49 = arith.constant 0 : index
    %get3A_50 = arith.constant 0 : index
    %get3A_51 = vector.load %arg10[%get3A_48, %get3A_49, %get3A_50] : memref<1x128x128xf32, #tpu.memory_space<vmem>>, vector<1x128x128xf32>
    %get3A_52 = vector.shape_cast %get3A_51 : vector<1x128x128xf32> to vector<128x128xf32>
    %convert_element_type3A_53 = arith.truncf %get3A_52 : vector<128x128xf32> to vector<128x128xbf16>
    %get3A_54 = arith.constant 0 : index
    %get3A_55 = arith.constant 0 : index
    %get3A_56 = arith.constant 0 : index
    %get3A_57 = vector.load %arg11[%get3A_54, %get3A_55, %get3A_56] : memref<1x128x14xf32, #tpu.memory_space<vmem>>, vector<1x128x14xf32>
    %get3A_58 = vector.shape_cast %get3A_57 : vector<1x128x14xf32> to vector<128x14xf32>
    %broadcast_in_dim3A = arith.constant 0.000000e+00 : f32
    %broadcast_in_dim3A_59 = vector.broadcast %broadcast_in_dim3A : f32 to vector<128x18xf32>
    %concatenate3A = tpu.concatenate %get3A_58, %broadcast_in_dim3A_59 in 1 : vector<128x14xf32>, vector<128x18xf32> -> vector<128x32xf32>
    %convert_element_type3A_60 = arith.truncf %concatenate3A : vector<128x32xf32> to vector<128x32xbf16>
    %get3A_61 = arith.constant 0 : index
    %get3A_62 = arith.constant 0 : index
    %get3A_63 = vector.load %arg2[%get3A_61, %get3A_62] : memref<512x384xf32, #tpu.memory_space<vmem>>, vector<512x384xf32>
    %max3A = arith.constant 0.000000e+00 : f32
    %max3A_64 = vector.broadcast %max3A : f32 to vector<512x384xf32>
    %max3A_65 = arith.maximumf %get3A_63, %max3A_64 : vector<512x384xf32>
    %convert_element_type3A_66 = arith.truncf %max3A_65 : vector<512x384xf32> to vector<512x384xbf16>
    %get3A_67 = arith.constant 0 : index
    %get3A_68 = arith.constant 0 : index
    %get3A_69 = vector.load %arg3[%get3A_67, %get3A_68] : memref<512x384xf32, #tpu.memory_space<vmem>>, vector<512x384xf32>
    %max3A_70 = arith.constant 0.000000e+00 : f32
    %max3A_71 = vector.broadcast %max3A_70 : f32 to vector<512x384xf32>
    %max3A_72 = arith.maximumf %get3A_69, %max3A_71 : vector<512x384xf32>
    %convert_element_type3A_73 = arith.truncf %max3A_72 : vector<512x384xf32> to vector<512x384xbf16>
    %get3A_74 = arith.constant 0 : index
    %get3A_75 = arith.constant 0 : index
    %get3A_76 = vector.load %arg4[%get3A_74, %get3A_75] : memref<512x32xf32, #tpu.memory_space<vmem>>, vector<512x32xf32>
    %max3A_77 = arith.constant 0.000000e+00 : f32
    %max3A_78 = vector.broadcast %max3A_77 : f32 to vector<512x32xf32>
    %max3A_79 = arith.maximumf %get3A_76, %max3A_78 : vector<512x32xf32>
    %convert_element_type3A_80 = arith.truncf %max3A_79 : vector<512x32xf32> to vector<512x32xbf16>
    %dot_general3A = arith.constant dense<0.000000e+00> : vector<512x128xf32>
    %dot_general3A_81 = tpu.matmul %convert_element_type3A_66, %convert_element_type3A, %dot_general3A {dimension_numbers = #tpu.dot_dimension_numbers<[1], [0], [0], [1], [0, 0, 1, 1], [], []>, transpose_lhs_hint = false} : vector<512x384xbf16>, vector<384x128xbf16>, vector<512x128xf32> -> vector<512x128xf32>
    %dot_general3A_82 = arith.constant dense<0.000000e+00> : vector<512x128xf32>
    %dot_general3A_83 = tpu.matmul %convert_element_type3A_73, %convert_element_type3A_18, %dot_general3A_82 {dimension_numbers = #tpu.dot_dimension_numbers<[1], [0], [0], [1], [0, 0, 1, 1], [], []>, transpose_lhs_hint = false} : vector<512x384xbf16>, vector<384x128xbf16>, vector<512x128xf32> -> vector<512x128xf32>
    %add3A_84 = arith.addf %dot_general3A_81, %dot_general3A_83 : vector<512x128xf32>
    %dot_general3A_85 = arith.constant dense<0.000000e+00> : vector<512x128xf32>
    %dot_general3A_86 = tpu.matmul %convert_element_type3A_80, %convert_element_type3A_29, %dot_general3A_85 {dimension_numbers = #tpu.dot_dimension_numbers<[1], [0], [0], [1], [0, 0, 1, 1], [], []>, transpose_lhs_hint = false} : vector<512x32xbf16>, vector<32x128xbf16>, vector<512x128xf32> -> vector<512x128xf32>
    %add3A_87 = arith.addf %add3A_84, %dot_general3A_86 : vector<512x128xf32>
    %max3A_88 = arith.constant 0.000000e+00 : f32
    %max3A_89 = vector.broadcast %max3A_88 : f32 to vector<512x128xf32>
    %max3A_90 = arith.maximumf %add3A_87, %max3A_89 : vector<512x128xf32>
    %convert_element_type3A_91 = arith.truncf %max3A_90 : vector<512x128xf32> to vector<512x128xbf16>
    %dot_general3A_92 = arith.constant dense<0.000000e+00> : vector<512x128xf32>
    %dot_general3A_93 = tpu.matmul %convert_element_type3A_91, %convert_element_type3A_35, %dot_general3A_92 {dimension_numbers = #tpu.dot_dimension_numbers<[1], [0], [0], [1], [0, 0, 1, 1], [], []>, transpose_lhs_hint = false} : vector<512x128xbf16>, vector<128x128xbf16>, vector<512x128xf32> -> vector<512x128xf32>
    %max3A_94 = arith.constant 0.000000e+00 : f32
    %max3A_95 = vector.broadcast %max3A_94 : f32 to vector<512x128xf32>
    %max3A_96 = arith.maximumf %dot_general3A_93, %max3A_95 : vector<512x128xf32>
    %convert_element_type3A_97 = arith.truncf %max3A_96 : vector<512x128xf32> to vector<512x128xbf16>
    %dot_general3A_98 = arith.constant dense<0.000000e+00> : vector<512x128xf32>
    %dot_general3A_99 = tpu.matmul %convert_element_type3A_97, %convert_element_type3A_41, %dot_general3A_98 {dimension_numbers = #tpu.dot_dimension_numbers<[1], [0], [0], [1], [0, 0, 1, 1], [], []>, transpose_lhs_hint = false} : vector<512x128xbf16>, vector<128x128xbf16>, vector<512x128xf32> -> vector<512x128xf32>
    %add3A_100 = arith.addf %add3A_87, %dot_general3A_99 : vector<512x128xf32>
    %max3A_101 = arith.constant 0.000000e+00 : f32
    %max3A_102 = vector.broadcast %max3A_101 : f32 to vector<512x128xf32>
    %max3A_103 = arith.maximumf %add3A_100, %max3A_102 : vector<512x128xf32>
    %convert_element_type3A_104 = arith.truncf %max3A_103 : vector<512x128xf32> to vector<512x128xbf16>
    %dot_general3A_105 = arith.constant dense<0.000000e+00> : vector<512x128xf32>
    %dot_general3A_106 = tpu.matmul %convert_element_type3A_104, %convert_element_type3A_47, %dot_general3A_105 {dimension_numbers = #tpu.dot_dimension_numbers<[1], [0], [0], [1], [0, 0, 1, 1], [], []>, transpose_lhs_hint = false} : vector<512x128xbf16>, vector<128x128xbf16>, vector<512x128xf32> -> vector<512x128xf32>
    %max3A_107 = arith.constant 0.000000e+00 : f32
    %max3A_108 = vector.broadcast %max3A_107 : f32 to vector<512x128xf32>
    %max3A_109 = arith.maximumf %dot_general3A_106, %max3A_108 : vector<512x128xf32>
    %convert_element_type3A_110 = arith.truncf %max3A_109 : vector<512x128xf32> to vector<512x128xbf16>
    %dot_general3A_111 = arith.constant dense<0.000000e+00> : vector<512x128xf32>
    %dot_general3A_112 = tpu.matmul %convert_element_type3A_110, %convert_element_type3A_53, %dot_general3A_111 {dimension_numbers = #tpu.dot_dimension_numbers<[1], [0], [0], [1], [0, 0, 1, 1], [], []>, transpose_lhs_hint = false} : vector<512x128xbf16>, vector<128x128xbf16>, vector<512x128xf32> -> vector<512x128xf32>
    %add3A_113 = arith.addf %add3A_100, %dot_general3A_112 : vector<512x128xf32>
    %max3A_114 = arith.constant 0.000000e+00 : f32
    %max3A_115 = vector.broadcast %max3A_114 : f32 to vector<512x128xf32>
    %max3A_116 = arith.maximumf %add3A_113, %max3A_115 : vector<512x128xf32>
    %convert_element_type3A_117 = arith.truncf %max3A_116 : vector<512x128xf32> to vector<512x128xbf16>
    %dot_general3A_118 = arith.constant dense<0.000000e+00> : vector<512x32xf32>
    %dot_general3A_119 = tpu.matmul %convert_element_type3A_117, %convert_element_type3A_60, %dot_general3A_118 {dimension_numbers = #tpu.dot_dimension_numbers<[1], [0], [0], [1], [0, 0, 1, 1], [], []>, transpose_lhs_hint = false} : vector<512x128xbf16>, vector<128x32xbf16>, vector<512x32xf32> -> vector<512x32xf32>
    %iota3A = tpu.iota {dimensions = array<i32: 0>} : vector<512x32xi32>
    %ge3A = vector.broadcast %get3A_1 : i32 to vector<512x32xi32>
    %ge3A_120 = arith.cmpi sge, %iota3A, %ge3A : vector<512x32xi32>
    %lt3A = vector.broadcast %get3A_4 : i32 to vector<512x32xi32>
    %lt3A_121 = arith.cmpi slt, %iota3A, %lt3A : vector<512x32xi32>
    %and3A = arith.andi %ge3A_120, %lt3A_121 : vector<512x32xi1>
    %eq3A = arith.constant 1 : i32
    %eq3A_122 = arith.cmpi eq, %get3A_7, %eq3A : i32
    %convert_element_type3A_123 = arith.extui %eq3A_122 : i1 to i32
    %cond3A = arith.constant 0 : i32
    %cond3A_124 = arith.cmpi ne, %convert_element_type3A_123, %cond3A : i32
    scf.if %cond3A_124 {
      %jit3A = arith.constant 0.000000e+00 : f32
      %broadcast_in_dim3A_130 = vector.broadcast %jit3A : f32 to vector<512x32xf32>
      %select_n3A = arith.select %and3A, %dot_general3A_119, %broadcast_in_dim3A_130 : vector<512x32xi1>, vector<512x32xf32>
      %swap3A = arith.constant 0 : index
      %swap3A_131 = arith.constant 0 : index
      %swap3A_132 = vector.load %arg12[%swap3A, %swap3A_131] : memref<512x32xf32, #tpu.memory_space<vmem>>, vector<512x32xf32>
      tpu.vector_store %arg12[%swap3A, %swap3A_131], %select_n3A {strides = array<i32>} : memref<512x32xf32, #tpu.memory_space<vmem>>, vector<512x32xf32>,
    } else {
    }
    %eq3A_125 = arith.constant 0 : i32
    %eq3A_126 = arith.cmpi eq, %get3A_7, %eq3A_125 : i32
    %convert_element_type3A_127 = arith.extui %eq3A_126 : i1 to i32
    %cond3A_128 = arith.constant 0 : i32
    %cond3A_129 = arith.cmpi ne, %convert_element_type3A_127, %cond3A_128 : i32
    scf.if %cond3A_129 {
      %get3A_130 = arith.constant 0 : index
      %get3A_131 = arith.constant 0 : index
      %get3A_132 = vector.load %arg12[%get3A_130, %get3A_131] : memref<512x32xf32, #tpu.memory_space<vmem>>, vector<512x32xf32>
      %select_n3A = arith.select %and3A, %dot_general3A_119, %get3A_132 : vector<512x32xi1>, vector<512x32xf32>
      %swap3A = arith.constant 0 : index
      %swap3A_133 = arith.constant 0 : index
      %swap3A_134 = vector.load %arg12[%swap3A, %swap3A_133] : memref<512x32xf32, #tpu.memory_space<vmem>>, vector<512x32xf32>
      tpu.vector_store %arg12[%swap3A, %swap3A_133], %select_n3A {strides = array<i32>} : memref<512x32xf32, #tpu.memory_space<vmem>>, vector<512x32xf32>,
    } else {
    }
    return
  }
  func.func @transform_0(%arg0: i32, %arg1: memref<5x27xi32, #tpu.memory_space<smem>>) -> (i32, i32) {
    %get3A = arith.constant 0 : index
    %get3A_0 = arith.index_cast %arg0 : i32 to index
    %get3A_1 = memref.load %arg1[%get3A, %get3A_0] : memref<5x27xi32, #tpu.memory_space<smem>>
    %c0_i32 = arith.constant 0 : i32
    %c0_i32_2 = arith.constant 0 : i32
    return %get3A_1, %c0_i32 : i32, i32
  }
  func.func @transform_1(%arg0: i32, %arg1: memref<5x27xi32, #tpu.memory_space<smem>>) -> (i32, i32) {
    %get3A = arith.constant 0 : index
    %get3A_0 = arith.index_cast %arg0 : i32 to index
    %get3A_1 = memref.load %arg1[%get3A, %get3A_0] : memref<5x27xi32, #tpu.memory_space<smem>>
    %c0_i32 = arith.constant 0 : i32
    %c0_i32_2 = arith.constant 0 : i32
    return %get3A_1, %c0_i32 : i32, i32
  }
  func.func @transform_2(%arg0: i32, %arg1: memref<5x27xi32, #tpu.memory_space<smem>>) -> (i32, i32) {
    %get3A = arith.constant 0 : index
    %get3A_0 = arith.index_cast %arg0 : i32 to index
    %get3A_1 = memref.load %arg1[%get3A, %get3A_0] : memref<5x27xi32, #tpu.memory_space<smem>>
    %c0_i32 = arith.constant 0 : i32
    %c0_i32_2 = arith.constant 0 : i32
    return %get3A_1, %c0_i32 : i32, i32
  }
  func.func @transform_3(%arg0: i32, %arg1: memref<5x27xi32, #tpu.memory_space<smem>>) -> (i32, i32, i32) {
    %get3A = arith.constant 1 : index
    %get3A_0 = arith.index_cast %arg0 : i32 to index
    %get3A_1 = memref.load %arg1[%get3A, %get3A_0] : memref<5x27xi32, #tpu.memory_space<smem>>
    %c0_i32 = arith.constant 0 : i32
    %c0_i32_2 = arith.constant 0 : i32
    %c0_i32_3 = arith.constant 0 : i32
    return %get3A_1, %c0_i32, %c0_i32_2 : i32, i32, i32
  }
  func.func @transform_4(%arg0: i32, %arg1: memref<5x27xi32, #tpu.memory_space<smem>>) -> (i32, i32, i32) {
    %get3A = arith.constant 1 : index
    %get3A_0 = arith.index_cast %arg0 : i32 to index
    %get3A_1 = memref.load %arg1[%get3A, %get3A_0] : memref<5x27xi32, #tpu.memory_space<smem>>
    %c0_i32 = arith.constant 0 : i32
    %c0_i32_2 = arith.constant 0 : i32
    %c0_i32_3 = arith.constant 0 : i32
    return %get3A_1, %c0_i32, %c0_i32_2 : i32, i32, i32
  }
  func.func @transform_5(%arg0: i32, %arg1: memref<5x27xi32, #tpu.memory_space<smem>>) -> (i32, i32, i32) {
    %get3A = arith.constant 1 : index
    %get3A_0 = arith.index_cast %arg0 : i32 to index
    %get3A_1 = memref.load %arg1[%get3A, %get3A_0] : memref<5x27xi32, #tpu.memory_space<smem>>
    %c0_i32 = arith.constant 0 : i32
    %c0_i32_2 = arith.constant 0 : i32
    %c0_i32_3 = arith.constant 0 : i32
    return %get3A_1, %c0_i32, %c0_i32_2 : i32, i32, i32
  }
  func.func @transform_6(%arg0: i32, %arg1: memref<5x27xi32, #tpu.memory_space<smem>>) -> (i32, i32, i32) {
    %get3A = arith.constant 1 : index
    %get3A_0 = arith.index_cast %arg0 : i32 to index
    %get3A_1 = memref.load %arg1[%get3A, %get3A_0] : memref<5x27xi32, #tpu.memory_space<smem>>
    %c0_i32 = arith.constant 0 : i32
    %c0_i32_2 = arith.constant 0 : i32
    %c0_i32_3 = arith.constant 0 : i32
    return %get3A_1, %c0_i32, %c0_i32_2 : i32, i32, i32
  }
  func.func @transform_7(%arg0: i32, %arg1: memref<5x27xi32, #tpu.memory_space<smem>>) -> (i32, i32, i32) {
    %get3A = arith.constant 1 : index
    %get3A_0 = arith.index_cast %arg0 : i32 to index
    %get3A_1 = memref.load %arg1[%get3A, %get3A_0] : memref<5x27xi32, #tpu.memory_space<smem>>
    %c0_i32 = arith.constant 0 : i32
    %c0_i32_2 = arith.constant 0 : i32
    %c0_i32_3 = arith.constant 0 : i32
    return %get3A_1, %c0_i32, %c0_i32_2 : i32, i32, i32
  }
  func.func @transform_8(%arg0: i32, %arg1: memref<5x27xi32, #tpu.memory_space<smem>>) -> (i32, i32, i32) {
    %get3A = arith.constant 1 : index
    %get3A_0 = arith.index_cast %arg0 : i32 to index
    %get3A_1 = memref.load %arg1[%get3A, %get3A_0] : memref<5x27xi32, #tpu.memory_space<smem>>
    %c0_i32 = arith.constant 0 : i32
    %c0_i32_2 = arith.constant 0 : i32
    %c0_i32_3 = arith.constant 0 : i32
    return %get3A_1, %c0_i32, %c0_i32_2 : i32, i32, i32
  }
  func.func @transform_9(%arg0: i32, %arg1: memref<5x27xi32, #tpu.memory_space<smem>>) -> (i32, i32, i32) {
    %get3A = arith.constant 1 : index
    %get3A_0 = arith.index_cast %arg0 : i32 to index
    %get3A_1 = memref.load %arg1[%get3A, %get3A_0] : memref<5x27xi32, #tpu.memory_space<smem>>
    %c0_i32 = arith.constant 0 : i32
    %c0_i32_2 = arith.constant 0 : i32
    %c0_i32_3 = arith.constant 0 : i32
    return %get3A_1, %c0_i32, %c0_i32_2 : i32, i32, i32
  }
  func.func @transform_10(%arg0: i32, %arg1: memref<5x27xi32, #tpu.memory_space<smem>>) -> (i32, i32) {
    %get3A = arith.constant 0 : index
    %get3A_0 = arith.index_cast %arg0 : i32 to index
    %get3A_1 = memref.load %arg1[%get3A, %get3A_0] : memref<5x27xi32, #tpu.memory_space<smem>>
    %c0_i32 = arith.constant 0 : i32
    %c0_i32_2 = arith.constant 0 : i32
    return %get3A_1, %c0_i32 : i32, i32
  }
}

</mosaic_0001>

<sc_bundles>
// kernel: kernel.6.cloned.1.call-start
scs
__scs_entry_jumppad:
0x0: {  	(pc) =	sbr.rel $0x88, $3  }
0x1: {  	(tag) =	ssettag $0x0;
	lr =	simm.s32 $0x1  }
0x2: {  	[smem:$0x3F92] =	sst lr;
	_ =	strace $0xD0000000  }
0x3: {  	_ = 	snop  }
0x4: {  	_ = 	snop  }
0x5: {  	_ = 	snop  }
0x6: {  	_ = 	snop  }
0x7: {  	_ = 	snop  }
__scs_overlays_trampoline_lowered:
0x8: {  	[smem:$0x3FA1] =	sst s0  }
0x9: {  	[smem:$0x3FA2] =	sst s1  }
0xa: {  	[smem:$0x3FA3] =	sst s2  }
0xb: {  	[smem:$0x3FA4] =	sst s3  }
0xc: {  	[smem:$0x3FA5] =	sst s4  }
0xd: {  	[smem:$0x3FA6] =	sst s5  }
0xe: {  	[smem:$0x3FA7] =	sst s6  }
0xf: {  	[smem:$0x3FA8] =	sst s7  }
0x10: {  	[smem:$0x3FA9] =	sst s8  }
0x11: {  	[smem:$0x3FAA] =	sst s9;
	s0 =	simm.s32 @!p0 $0x0  }
0x12: {  	s1 =	sld [smem:$0x3F90];
	s0 =	simm.s32 @p0 $0x1  }
0x13: {  	[smem:$0x3FAB] =	sst s0;
	s0 =	simm.s32 @!p1 $0x0  }
0x14: {  	s2 =	sld [smem:$0x3F8F];
	s0 =	simm.s32 @p1 $0x1  }
0x15: {  	[smem:$0x3FAC] =	sst s0;
	s0 =	simm.s32 @!p2 $0x0  }
0x16: {  	s3 =	sld [smem:$0x3FDB];
	s0 =	simm.s32 @p2 $0x1  }
0x17: {  	s4 =	simm.s32 $0x1BF5;
	[smem:$0x3FAE] =	sst s0  }
0x18: {  	s0 =	sld [smem:$0x3F91];
	_ =	swait.ge [sflag:s4], $0x0  }
0x19: {  	s7 =	sld [smem:$0x3F92]  }
0x1a: {  	s8 =	sadd.s32 $0xFFFFE003, lr  }
0x1b: {  	s9 =	sadd.s32 $0xFFFFFEF7, lr;
	s5 =	simm.s32 $0xFFFFFFFF;
	p2 =	slt.u32 s8, $0xFFFFF086  }
0x1c: {  	p1 =	slt.u32 s9, $0xF7A;
	s5 =	simm.s32 @!p2 $0x0  }
0x1d: {  	s5 =	simm.s32 @p1 $0x1;
	p0 =	seq.s32 s7, s2  }
0x1e: {  	s7 =	smul.u32 @!p0 $0xF7A, s2;
	p2 =	seq.s32 @!p0 s5, $0x0  }
0x1f: {  	s9 =	smul.u32 $0xF7A, s1;
	s8 =	simm.s32 @!p0 $0x1BF5;
	p2 =	por !p2, p0  }
0x20: {  	[sflag:s8] =	ssyncset.s32 @!p0 $0xFFFFF086;
	s6 =	sadd.s32 @!p0 s3, s7;
	s7 =	simm.s32 @!p0 $0x108  }
0x21: {  	s3 =	sadd.s32 s3, s9;
	s6 =	sadd.s32 @!p0 $0x88, s6;
	s7 =	simm.s32 @p2 $0x1082  }
0x22: {  	[simem:s7], [sflag:s8] =	dma.local @!p0 [hbm:s6], $0xF7A  }
0x23: {  	s9 =	sor.u32 $0xD0000000, s2;
	s6 =	simm.s32 $0x108;
	_ =	swait.ge @!p0 [sflag:s8], $0x0  }
0x24: {  	s3 =	sadd.s32 $0x88, s3;
	s6 =	simm.s32 @!p1 $0x1082;
	[sflag:s4] =	ssyncset.s32 $0xFFFFF086  }
0x25: {  	[simem:s6], [sflag:s4] =	dma.local [hbm:s3], $0xF7A  }
0x26: {  	[smem:$0x3F92] =	sst s1;
	(tag) =	ssettag s2;
	_ =	strace s9  }
0x27: {  	s1 =	sld [smem:$0x3FA2]  }
0x28: {  	s2 =	sld [smem:$0x3FA3]  }
0x29: {  	s4 =	sld [smem:$0x3FA5]  }
0x2a: {  	p0 =	seq.s32 s5, $0x0;
	s5 =	sld [smem:$0x3FA6]  }
0x2b: {  	s6 =	sld [smem:$0x3FA7]  }
0x2c: {  	s7 =	sld [smem:$0x3FA8]  }
0x2d: {  	s3 =	simm.s32 $0x108;
	s8 =	sld [smem:$0x3FA9]  }
0x2e: {  	s3 =	simm.s32 @!p0 $0x1082;
	s9 =	sld [smem:$0x3FAA]  }
0x2f: {  	lr =	sadd.s32 s0, s3;
	s0 =	sld [smem:$0x3FA1]  }
0x30: {  	s3 =	sld [smem:$0x3FA4]  }
0x31: {  	[smem:$0x3FAD] =	sst s10  }
0x32: {  	s10 =	sld [smem:$0x3FAB];
	_ =	sdelay $0x3  }
0x33: {  	p0 =	seq.s32 s10, $0x1;
	s10 =	sld [smem:$0x3FAD];
	_ =	sdelay $0x3  }
0x34: {  	[smem:$0x3FAD] =	sst s10  }
0x35: {  	s10 =	sld [smem:$0x3FAC];
	_ =	sdelay $0x3  }
0x36: {  	p1 =	seq.s32 s10, $0x1;
	s10 =	sld [smem:$0x3FAD];
	_ =	sdelay $0x3  }
0x37: {  	[smem:$0x3FAD] =	sst s10  }
0x38: {  	s10 =	sld [smem:$0x3FAE]  }
0x39: {  	_ = 	snop;
	(pc) =	sbr.ind lr, $3  }
0x3a: {  	_ = 	snop  }
0x3b: {  	_ = 	snop  }
0x3c: {  	p2 =	seq.s32 s10, $0x1;
	s10 =	sld [smem:$0x3FAD]  }
0x3d: {  	_ =	shalt  }
0x3e: {  	_ =	shalt  }
0x3f: {  	_ =	shalt  }
0x40: {  	_ =	shalt  }
0x41: {  	_ =	shalt  }
0x42: {  	_ =	shalt  }
0x43: {  	_ =	shalt  }
0x44: {  	_ =	shalt  }
0x45: {  	_ =	shalt  }
0x46: {  	_ =	shalt  }
0x47: {  	_ =	shalt  }
0x48: {  	_ =	shalt  }
0x49: {  	_ =	shalt  }
0x4a: {  	_ =	shalt  }
0x4b: {  	_ =	shalt  }
0x4c: {  	_ =	shalt  }
0x4d: {  	_ =	shalt  }
0x4e: {  	_ =	shalt  }
0x4f: {  	_ =	shalt  }
0x50: {  	_ =	shalt  }
0x51: {  	_ =	shalt  }
0x52: {  	_ =	shalt  }
0x53: {  	_ =	shalt  }
0x54: {  	_ =	shalt  }
0x55: {  	_ =	shalt  }
0x56: {  	_ =	shalt  }
0x57: {  	_ =	shalt  }
0x58: {  	_ =	shalt  }
0x59: {  	_ =	shalt  }
0x5a: {  	_ =	shalt  }
0x5b: {  	_ =	shalt  }
0x5c: {  	_ =	shalt  }
0x5d: {  	_ =	shalt  }
0x5e: {  	_ =	shalt  }
0x5f: {  	_ =	shalt  }
0x60: {  	_ =	shalt  }
0x61: {  	_ =	shalt  }
0x62: {  	_ =	shalt  }
0x63: {  	_ =	shalt  }
0x64: {  	_ =	shalt  }
0x65: {  	_ =	shalt  }
0x66: {  	_ =	shalt  }
0x67: {  	_ =	shalt  }
0x68: {  	_ =	shalt  }
0x69: {  	_ =	shalt  }
0x6a: {  	_ =	shalt  }
0x6b: {  	_ =	shalt  }
0x6c: {  	_ =	shalt  }
0x6d: {  	_ =	shalt  }
0x6e: {  	_ =	shalt  }
0x6f: {  	_ =	shalt  }
0x70: {  	_ =	shalt  }
0x71: {  	_ =	shalt  }
0x72: {  	_ =	shalt  }
0x73: {  	_ =	shalt  }
0x74: {  	_ =	shalt  }
0x75: {  	_ =	shalt  }
0x76: {  	_ =	shalt  }
0x77: {  	_ =	shalt  }
0x78: {  	_ =	shalt  }
0x79: {  	_ =	shalt  }
0x7a: {  	_ =	shalt  }
0x7b: {  	_ =	shalt  }
0x7c: {  	_ =	shalt  }
0x7d: {  	_ =	shalt  }
0x7e: {  	_ =	shalt  }
0x7f: {  	_ =	shalt  }
0x80: {  	_ =	shalt  }
0x81: {  	_ =	shalt  }
0x82: {  	_ =	shalt  }
0x83: {  	_ =	shalt  }
0x84: {  	_ =	shalt  }
0x85: {  	_ =	shalt  }
0x86: {  	_ =	shalt  }
0x87: {  	_ =	shalt  }
.Lfunc_end0:
.L_simem_size_0:
called_computation_lowered:
.L_overlay_start_0:
0x88: {  	s2 =	sld [smem:$0x3FD9]  }
0x89: {  	s3 =	sld [smem:$0x3FFE];
	_ =	sdelay $0x1  }
0x8a: {  	s1 =	srdreg.scid  }
0x8b: {  	s0 =	sand.u32 $0x1, s1  }
0x8c: {  	s14 =	sshll.u32 s0, $0xA;
	s2 =	sadd.s32 s3, s2  }
0x8d: {  	s2 =	sadd.s32 s2, s14  }
0x8e: {  	[smem:$0x3FB9] =	sst s2  }
0x8f: {  	_ = 	snop  }
0x90: {  	s2 =	sld [smem:$0x3FD0];
	_ =	sdelay $0x1  }
0x91: {  	s15 =	sld [smem:$0x3FC8]  }
0x92: {  	s5 =	simm.s32 $0xA;
	s6 =	simm.s32 $0x10;
	s4 =	sld [smem:$0x3FC7]  }
0x93: {  	[smem:s6], [sflag:s5] =	dma.local [hbm:s2], $0x1  }
0x94: {  	_ =	swait.eq [sflag:s5], $0x1  }
0x95: {  	[sflag:s5] =	ssyncset.done $0x0  }
0x96: {  	s16 =	sld [smem:$0x11];
	[sflag:s5] =	ssyncadd.s32 $0xFFFFFFFF  }
0x97: {  	s17 =	sld [smem:$0x12];
	(tm) =	ssettm $0x1  }
0x98: {  	s18 =	sld [smem:$0x3FFB];
	_ =	sdelay $0x3  }
0x99: {  	_ =	strace s18  }
0x9a: {  	s6 =	sld [smem:$0x3FFC];
	_ =	sdelay $0x3  }
0x9b: {  	_ =	strace s6  }
0x9c: {  	s6 =	sld [smem:$0x3FFD];
	_ =	sdelay $0x3  }
0x9d: {  	_ =	strace s6  }
0x9e: {  	_ =	strace $0x8FFFFFFF  }
0x9f: {  	s19 =	sld [smem:$0x3FDB];
	_ =	sdelay $0x1  }
0xa0: {  	s7 =	simm.s32 $_scs_section_size  }
0xa1: {  	s8 =	simm.s32 $_size__tile_overlayer_lowered;
	s9 =	simm.s32 $_tile_overlayer_lowered  }
0xa2: {  	s22 =	simm.s32 $0x1BFF;
	s21 =	sshll.u32 s9, $0x1;
	s6 =	sadd.s32 s7, s19  }
0xa3: {  	s10 =	simm.s32 $0x0;
	s20 =	sshll.u32 s8, $0x1;
	s8 =	sadd.s32 s21, s6  }
0xa4: {  	[timem:s10], [sflag:s22] =	dma.local [hbm:s8], s20  }
0xa5: {  	_ =	swait.ge [sflag:s22], s20  }
0xa6: {  	s7 =	ssub.s32 $0x0, s20;
	[sflag:s22] =	ssyncset.done $0x0  }
0xa7: {  	[sflag:s22] =	ssyncadd.s32 s7;
	_ =	sdelay $0x1  }
0xa8: {  	s23 =	simm.s32 $0x1B8B  }
0xa9: {  	_ =	swait.ge [sflag:s23], $0x1  }
0xaa: {  	[sflag:s23] =	ssyncset.done $0x0  }
0xab: {  	s25 =	simm.s32 $0x1B8E;
	s24 =	sld [smem:$0x3FFE];
	[sflag:s23] =	ssyncadd.s32 $0xFFFFFFFF  }
0xac: {  	s26 =	simm.s32 $execute0_lowered;
	[smem:$0x3FD2] =	sst s25  }
0xad: {  	s8 =	sshll.u32 s26, $0x1;
	_ =	strace $0x80000046;
	[dreg:$0x1] =	wrdreg $0xFFFFFFFF  }
0xae: {  	s28 =	simm.s32 $_size_execute0_lowered;
	s6 =	sadd.s32 s6, s8;
	[dreg:$0x0] =	wrdreg $0x0  }
0xaf: {  	s8 =	sshll.u32 s28, $0x1;
	[dreg:$0x2] =	wrdreg s6  }
0xb0: {  	[dreg:$0x3] =	wrdreg s8  }
0xb1: {  	[dreg:$0x4] =	wrdreg $0xC0  }
0xb2: {  	_ =	task [dreg:s10], $0x5FFFF  }
0xb3: {  	[dreg:$0x1] =	wrdreg $0xFFFFFFFF  }
0xb4: {  	[dreg:$0x0] =	wrdreg $0x60  }
0xb5: {  	[dreg:$0x2] =	wrdreg s15  }
0xb6: {  	[dreg:$0x3] =	wrdreg s4  }
0xb7: {  	[dreg:$0x4] =	wrdreg s24  }
0xb8: {  	[dreg:$0x5] =	wrdreg s16  }
0xb9: {  	[dreg:$0x6] =	wrdreg s17  }
0xba: {  	[dreg:$0x7] =	wrdreg $0x9  }
0xbb: {  	_ =	task.clear_ibuf [dreg:s10], $0x8FFFF;
	_ =	strace $0x90000046  }
0xbc: {  	s29 =	simm.s32 $0x9;
	_ =	strace $0x80000048  }
0xbd: {  	_ =	swait.ge [sflag:s29], $0x1  }
0xbe: {  	[sflag:s29] =	ssyncadd.s32 $0xFFFFFFFF  }
0xbf: {  	_ =	strace $0x90000048  }
0xc0: {  	_ =	sfence  }
0xc1: {  	s30 =	sld [smem:$0x0];
	_ =	sdelay $0x2  }
0xc2: {  	s31 =	sshll.u32 s1, $0xD;
	s1 =	sshrl.u32 s1, $0x2  }
0xc3: {  	s3 =	sand.u32 $0x4000, s31;
	s1 =	sadd.s32 s1, s30  }
0xc4: {  	s0 =	sor.u32 s3, s0;
	s1 =	sshll.u32 s1, $0x11  }
0xc5: {  	s0 =	sor.u32 s1, s0  }
0xc6: {  	s0 =	sadd.s32 $0x8F2B, s0  }
0xc7: {  	[sflag:s0] =	ssyncadd.remote.s32 $0x1  }
0xc8: {  	_ =	sfence.sel $0xFFFF  }
0xc9: {  	[dreg:$0x0] =	wrdreg $0xFFFFFFFF;
	(pc) =	sbr.abs _section_cstart, $3  }
0xca: {  	[dreg:$0x1] =	wrdreg $0xFFFFFFFF  }
0xcb: {  	_ =	task.clear_ibuf [dreg:s10], $0x2FFFF;
	_ =	strace $0x9FFFFFFF  }
0xcc: {  	(tm) =	ssettm $0x7FFFFFFF  }
0xcd: {  	_ =	shalt  }
tec
execute0_lowered:
.L_overlay_start_1:
0x0: {  	(tag) =	ssettag $0x1  }
0x1: {  	s3 =	rddreg [dreg:$0x0]  }
0x2: {  	s4 =	rddreg [dreg:$0x1]  }
0x3: {  	s0 =	rddreg [dreg:$0x2]  }
0x4: {  	s6 =	rddreg [dreg:$0x3]  }
0x5: {  	s7 =	rddreg [dreg:$0x4];
	s2 =	simm.s32 $0x0  }
0x6: {  	[smem:$0x7FF] =	sst s2;
	s9 =	sadd.s32 $0x7200, s0  }
0x7: {  	s25 =	simm.s32 $0x900;
	_ =	strace $0x80000047;
	[dreg:$0x6] =	wrdreg s9  }
0x8: {  	s1 =	stileid.u32;
	s26 =	simm.s32 $0xD00;
	[dreg:$0xc] =	wrdreg s25  }
0x9: {  	s8 =	sshll.u32 s1, $0x1;
	s1 =	simm.s32 $0x1500;
	[dreg:$0xd] =	wrdreg s26  }
0xa: {  	s11 =	simm.s32 $0x3D00;
	[dreg:$0xe] =	wrdreg s1  }
0xb: {  	s12 =	simm.s32 $0x4500;
	[dreg:$0x15] =	wrdreg s11  }
0xc: {  	s13 =	simm.s32 $0x4900;
	[dreg:$0x16] =	wrdreg s12  }
0xd: {  	s14 =	simm.s32 $0x5100;
	[dreg:$0x17] =	wrdreg s13  }
0xe: {  	s15 =	simm.s32 $0x5500;
	[dreg:$0x18] =	wrdreg s14  }
0xf: {  	s16 =	simm.s32 $0x5D00;
	[dreg:$0x19] =	wrdreg s15  }
0x10: {  	s17 =	simm.s32 $0x6100;
	[dreg:$0x1a] =	wrdreg s16  }
0x11: {  	s9 =	simm.s32 $0x3100;
	[dreg:$0x1b] =	wrdreg s17  }
0x12: {  	s25 =	simm.s32 $0x9100;
	[dreg:$0x13] =	wrdreg s9  }
0x13: {  	s26 =	simm.s32 $0x9900;
	[smem:$0x7E6] =	sst s25  }
0x14: {  	s1 =	simm.s32 $0x9D00;
	[smem:$0x7E7] =	sst s26  }
0x15: {  	s5 =	srdreg.scid;
	s11 =	simm.s32 $0xCD00;
	[smem:$0x7E8] =	sst s1  }
0x16: {  	s5 =	sand.u32 $0x1, s5;
	s12 =	simm.s32 $0xD500;
	[smem:$0x7EF] =	sst s11  }
0x17: {  	s8 =	sor.u32 s5, s8;
	s13 =	simm.s32 $0xD900;
	[smem:$0x7F0] =	sst s12  }
0x18: {  	s15 =	simm.s32 $0xE100;
	s16 =	simm.s32 $0xE500;
	[smem:$0x7F1] =	sst s13  }
0x19: {  	s17 =	simm.s32 $0xED00;
	s18 =	sshll.u32 s8, $0x4;
	[smem:$0x7F2] =	sst s15  }
0x1a: {  	s19 =	sshll.u32 s8, $0x2;
	s10 =	smul.u32 $0x1800, s8;
	[smem:$0x7F3] =	sst s16  }
0x1b: {  	s21 =	sshll.u32 s8, $0x9;
	s8 =	simm.s32 $0x2D00;
	[smem:$0x7F4] =	sst s17  }
0x1c: {  	s9 =	simm.s32 $0xBD00;
	[dreg:$0x12] =	wrdreg s8  }
0x1d: {  	s25 =	simm.s32 $0x11D00;
	[smem:$0x7ED] =	sst s9  }
0x1e: {  	s26 =	simm.s32 $0x12100;
	[smem:$0x7FC] =	sst s25  }
0x1f: {  	s6 =	sadd.s32 s6, s18;
	[smem:$0x7FD] =	sst s26  }
0x20: {  	s28 =	simm.s32 $0x17100;
	s20 =	sadd.s32 s7, s19;
	[dreg:$0x7] =	wrdreg s6  }
0x21: {  	s29 =	simm.s32 $0x17500;
	s7 =	simm.s32 $0x2500;
	[dreg:$0x8] =	wrdreg s20  }
0x22: {  	s30 =	simm.s32 $0x17D00;
	s18 =	simm.s32 $0x6900;
	[dreg:$0x11] =	wrdreg s7  }
0x23: {  	s31 =	simm.s32 $0x3;
	s19 =	simm.s32 $0x6D00;
	[dreg:$0x1c] =	wrdreg s18  }
0x24: {  	s22 =	sadd.s32 s21, s0;
	s21 =	simm.s32 $0x7900;
	[dreg:$0x1d] =	wrdreg s19  }
0x25: {  	s5 =	ssub.s32 $0x2, s5;
	s8 =	simm.s32 $0xB500;
	[dreg:$0x1f] =	wrdreg s21  }
0x26: {  	s14 =	sshrl.u32 s5, $0x1;
	s3 =	sadd.s32 s3, s10;
	[smem:$0x7EC] =	sst s8  }
0x27: {  	s11 =	simm.s32 $0xC100;
	s23 =	sadd.s32 s4, s10;
	[dreg:$0x9] =	wrdreg s3  }
0x28: {  	s12 =	simm.s32 $0x18100;
	s24 =	sadd.s32 $0x3200, s22;
	[dreg:$0xa] =	wrdreg s23  }
0x29: {  	s13 =	simm.s32 $0x1;
	s4 =	simm.s32 $0x1900;
	[dreg:$0xb] =	wrdreg s24  }
0x2a: {  	s16 =	simm.s32 $0x12D00;
	s6 =	simm.s32 $0x2100;
	[dreg:$0xf] =	wrdreg s4  }
0x2b: {  	s17 =	simm.s32 $0x13500;
	s10 =	simm.s32 $0x3900;
	[dreg:$0x10] =	wrdreg s6  }
0x2c: {  	s9 =	simm.s32 $0x80;
	s20 =	simm.s32 $0x7500;
	[dreg:$0x14] =	wrdreg s10  }
0x2d: {  	s25 =	simm.s32 $0x16500;
	s22 =	simm.s32 $0x8100;
	[dreg:$0x1e] =	wrdreg s20  }
0x2e: {  	s26 =	simm.s32 $0x16900;
	s7 =	simm.s32 $0xB100;
	[smem:$0x7E3] =	sst s22  }
0x2f: {  	s18 =	simm.s32 $0xF100;
	s19 =	simm.s32 $0xF900;
	[smem:$0x7EB] =	sst s7  }
0x30: {  	s8 =	simm.s32 $0x4;
	s21 =	simm.s32 $0x10500;
	[smem:$0x7F5] =	sst s18  }
0x31: {  	s23 =	simm.s32 $0x8500;
	s24 =	simm.s32 $0x8D00;
	[smem:$0x7F6] =	sst s19  }
0x32: {  	s4 =	simm.s32 $0xA500;
	s6 =	simm.s32 $0xA900;
	[smem:$0x7F8] =	sst s21  }
0x33: {  	s10 =	simm.s32 $0xC900;
	s3 =	sadd.s32 $0xB200, s0;
	[smem:$0x7E4] =	sst s23  }
0x34: {  	s7 =	ssub.s32 s5, s14;
	s5 =	sadd.s32 $0xB300, s0;
	[smem:$0x7E5] =	sst s24  }
0x35: {  	s20 =	simm.s32 $0xFD00;
	s22 =	simm.s32 $0x10900;
	[smem:$0x7E9] =	sst s4  }
0x36: {  	s14 =	simm.s32 $0x2;
	s18 =	simm.s32 $0x13900;
	[smem:$0x7EA] =	sst s6  }
0x37: {  	s19 =	simm.s32 $0x14100;
	s21 =	simm.s32 $0x14D00;
	[smem:$0x7EE] =	sst s10  }
0x38: {  	s4 =	sadd.s32 $0x3B200, s0;
	s6 =	sadd.s32 $0x3B300, s0;
	[smem:$0x7F7] =	sst s20  }
0x39: {  	s7 =	smax.u32 s7, $0x1;
	s10 =	simm.s32 $0x100;
	[smem:$0x7F9] =	sst s22  }
0x3a: {  	v2 =	vlaneseq.u32;
	s23 =	simm.s32 $0x11100;
	s24 =	simm.s32 $0x11500;
	s20 =	simm.s32 $0x14500  }
0x3b: {  	vm0 =	vmmov $0xffff;
	vm1 =	vmmov $0xff;
	v1 =	vshrl.u32 v2, $0x3;
	s22 =	simm.s32 $0x15100;
	s0 =	simm.s32 $0x20;
	[smem:$0x7FA] =	sst s23  }
0x3c: {  	v0 =	vand.u32 $0x7, v2;
	v2 =	vor.u32 $0x8, v2;
	v1 =	vmul.u32 $0x8, v1;
	[smem:$0x7FB] =	sst s24;
	s23 =	simm.s32 $0x15900;
	s24 =	simm.s32 $0x15D00  }
.LBB2_1:
0x3d: {  	s1 =	rddreg [dreg:$0x7]  }
0x3e: {  	[tilespmem:s2], [sflag:$0x4] =	stream.linear.gather [hbm4b:s1+s2], $0x80, $0x38;
	[tilespmem:$0x19100] =	vst v63  }
0x3f: {  	_ =	swait.ge [sflag:s8], $0x80  }
0x40: {  	[sflag:s8] =	ssyncset.done $0x0  }
0x41: {  	s15 =	rddreg [dreg:$0x8];
	[sflag:s8] =	ssyncadd.s32 $0xFFFFFF80  }
0x42: {  	[tilespmem:s9], [sflag:$0x4] =	stream.linear.gather [hbm4b:s15+s2], $0x20, $0x38;
	[tilespmem:$0x19100] =	vst v63  }
0x43: {  	_ =	swait.ge [sflag:s8], $0x20  }
0x44: {  	[sflag:s8] =	ssyncset.done $0x0  }
0x45: {  	s1 =	rddreg [dreg:$0x9];
	[sflag:s8] =	ssyncadd.s32 $0xFFFFFFE0  }
0x46: {  	[tilespmem:s10], [sflag:$0x1] =	stream.linear.gather [hbm4b:s1+s2], $0xC000, $0x38;
	[tilespmem:$0x19100] =	vst v63  }
0x47: {  	s15 =	rddreg [dreg:$0xa]  }
0x48: {  	[tilespmem:s11], [sflag:$0x2] =	stream.linear.gather [hbm4b:s15+s2], $0xC000, $0x38;
	[tilespmem:$0x19100] =	vst v63  }
0x49: {  	s1 =	rddreg [dreg:$0xb]  }
0x4a: {  	[tilespmem:s12], [sflag:$0x3] =	stream.linear.gather [hbm4b:s1+s2], $0x1000, $0x38;
	[tilespmem:$0x19100] =	vst v63  }
0x4b: {  	_ =	swait.ge [sflag:s13], $0xC000  }
0x4c: {  	[sflag:s13] =	ssyncset.done $0x0  }
0x4d: {  	[sflag:s13] =	ssyncadd.s32 $0xFFFF4000  }
0x4e: {  	v3 =	vld [tilespmem:$0x0];
	_ =	sdelay $0x4  }
0x4f: {  	v4 =	vshrl.u32 v3, $0x3  }
0x50: {  	v4 =	vmul.u32 $0x18, v4  }
0x51: {  	v3 =	vand.u32 $0x7, v3  }
0x52: {  	v3 =	vor.u32 v3, v4  }
0x53: {  	v4 =	vperm.xlane v3, v0;
	_ =	sdelay $0x1  }
0x54: {  	v4 =	vadd.s32 v1, v4;
	_ =	sdelay $0x1  }
0x55: {  	v3 =	vperm.xlane v3, v2;
	_ =	sdelay $0x1  }
0x56: {  	v3 =	vadd.s32 v1, v3  }
0x57: {  	[hbm4b:s3+s2] =	stream.indirect_vreg.scatter [tilespmem:s10], [sflag:$0x1], $0x80, v4, vm0, $0xb8;
	[tilespmem:$0x19100] =	vst v63  }
0x58: {  	s1 =	rddreg [dreg:$0xc]  }
0x59: {  	[hbm4b:s5+s2] =	stream.indirect_vreg.scatter [tilespmem:s1], [sflag:$0x1], $0x80, v4, vm1, $0xb8;
	[tilespmem:$0x19100] =	vst v63  }
0x5a: {  	s15 =	rddreg [dreg:$0xd]  }
0x5b: {  	[hbm4b:s3+s2] =	stream.indirect_vreg.scatter [tilespmem:s15], [sflag:$0x1], $0x80, v3, vm0, $0xb8;
	[tilespmem:$0x19100] =	vst v63  }
0x5c: {  	s1 =	rddreg [dreg:$0xe]  }
0x5d: {  	[hbm4b:s5+s2] =	stream.indirect_vreg.scatter [tilespmem:s1], [sflag:$0x1], $0x80, v3, vm1, $0xb8;
	[tilespmem:$0x19100] =	vst v63  }
0x5e: {  	v3 =	vld [tilespmem:$0x10];
	_ =	sdelay $0x4  }
0x5f: {  	v49 =	vshrl.u32 v3, $0x3  }
0x60: {  	v4 =	vmul.u32 $0x18, v49  }
0x61: {  	v3 =	vand.u32 $0x7, v3  }
0x62: {  	v3 =	vor.u32 v3, v4  }
0x63: {  	v4 =	vperm.xlane v3, v0;
	_ =	sdelay $0x1  }
0x64: {  	v4 =	vadd.s32 v1, v4;
	_ =	sdelay $0x1  }
0x65: {  	v3 =	vperm.xlane v3, v2;
	_ =	sdelay $0x1  }
0x66: {  	s1 =	rddreg [dreg:$0xf];
	v3 =	vadd.s32 v1, v3  }
0x67: {  	[hbm4b:s3+s2] =	stream.indirect_vreg.scatter [tilespmem:s1], [sflag:$0x1], $0x80, v4, vm0, $0xb8;
	[tilespmem:$0x19100] =	vst v63  }
0x68: {  	s15 =	rddreg [dreg:$0x10]  }
0x69: {  	[hbm4b:s5+s2] =	stream.indirect_vreg.scatter [tilespmem:s15], [sflag:$0x1], $0x80, v4, vm1, $0xb8;
	[tilespmem:$0x19100] =	vst v63  }
0x6a: {  	s1 =	rddreg [dreg:$0x11]  }
0x6b: {  	[hbm4b:s3+s2] =	stream.indirect_vreg.scatter [tilespmem:s1], [sflag:$0x1], $0x80, v3, vm0, $0xb8;
	[tilespmem:$0x19100] =	vst v63  }
0x6c: {  	s15 =	rddreg [dreg:$0x12]  }
0x6d: {  	[hbm4b:s5+s2] =	stream.indirect_vreg.scatter [tilespmem:s15], [sflag:$0x1], $0x80, v3, vm1, $0xb8;
	[tilespmem:$0x19100] =	vst v63  }
0x6e: {  	v3 =	vld [tilespmem:$0x20];
	_ =	sdelay $0x4  }
0x6f: {  	v50 =	vshrl.u32 v3, $0x3  }
0x70: {  	v4 =	vmul.u32 $0x18, v50  }
0x71: {  	v3 =	vand.u32 $0x7, v3  }
0x72: {  	v3 =	vor.u32 v3, v4  }
0x73: {  	v4 =	vperm.xlane v3, v0;
	_ =	sdelay $0x1  }
0x74: {  	v4 =	vadd.s32 v1, v4;
	_ =	sdelay $0x1  }
0x75: {  	v3 =	vperm.xlane v3, v2;
	_ =	sdelay $0x1  }
0x76: {  	s1 =	rddreg [dreg:$0x13];
	v3 =	vadd.s32 v1, v3  }
0x77: {  	[hbm4b:s3+s2] =	stream.indirect_vreg.scatter [tilespmem:s1], [sflag:$0x1], $0x80, v4, vm0, $0xb8;
	[tilespmem:$0x19100] =	vst v63  }
0x78: {  	s15 =	rddreg [dreg:$0x14]  }
0x79: {  	[hbm4b:s5+s2] =	stream.indirect_vreg.scatter [tilespmem:s15], [sflag:$0x1], $0x80, v4, vm1, $0xb8;
	[tilespmem:$0x19100] =	vst v63  }
0x7a: {  	s1 =	rddreg [dreg:$0x15]  }
0x7b: {  	[hbm4b:s3+s2] =	stream.indirect_vreg.scatter [tilespmem:s1], [sflag:$0x1], $0x80, v3, vm0, $0xb8;
	[tilespmem:$0x19100] =	vst v63  }
0x7c: {  	s15 =	rddreg [dreg:$0x16]  }
0x7d: {  	[hbm4b:s5+s2] =	stream.indirect_vreg.scatter [tilespmem:s15], [sflag:$0x1], $0x80, v3, vm1, $0xb8;
	[tilespmem:$0x19100] =	vst v63  }
0x7e: {  	v3 =	vld [tilespmem:$0x30];
	_ =	sdelay $0x4  }
0x7f: {  	v51 =	vshrl.u32 v3, $0x3  }
0x80: {  	v4 =	vmul.u32 $0x18, v51  }
0x81: {  	v3 =	vand.u32 $0x7, v3  }
0x82: {  	v3 =	vor.u32 v3, v4  }
0x83: {  	v4 =	vperm.xlane v3, v0;
	_ =	sdelay $0x1  }
0x84: {  	v4 =	vadd.s32 v1, v4;
	_ =	sdelay $0x1  }
0x85: {  	v3 =	vperm.xlane v3, v2;
	_ =	sdelay $0x1  }
0x86: {  	s1 =	rddreg [dreg:$0x17];
	v3 =	vadd.s32 v1, v3  }
0x87: {  	[hbm4b:s3+s2] =	stream.indirect_vreg.scatter [tilespmem:s1], [sflag:$0x1], $0x80, v4, vm0, $0xb8;
	[tilespmem:$0x19100] =	vst v63  }
0x88: {  	s15 =	rddreg [dreg:$0x18]  }
0x89: {  	[hbm4b:s5+s2] =	stream.indirect_vreg.scatter [tilespmem:s15], [sflag:$0x1], $0x80, v4, vm1, $0xb8;
	[tilespmem:$0x19100] =	vst v63  }
0x8a: {  	s1 =	rddreg [dreg:$0x19]  }
0x8b: {  	[hbm4b:s3+s2] =	stream.indirect_vreg.scatter [tilespmem:s1], [sflag:$0x1], $0x80, v3, vm0, $0xb8;
	[tilespmem:$0x19100] =	vst v63  }
0x8c: {  	s15 =	rddreg [dreg:$0x1a]  }
0x8d: {  	[hbm4b:s5+s2] =	stream.indirect_vreg.scatter [tilespmem:s15], [sflag:$0x1], $0x80, v3, vm1, $0xb8;
	[tilespmem:$0x19100] =	vst v63  }
0x8e: {  	v3 =	vld [tilespmem:$0x40];
	_ =	sdelay $0x4  }
0x8f: {  	v52 =	vshrl.u32 v3, $0x3  }
0x90: {  	v4 =	vmul.u32 $0x18, v52  }
0x91: {  	v3 =	vand.u32 $0x7, v3  }
0x92: {  	v3 =	vor.u32 v3, v4  }
0x93: {  	v4 =	vperm.xlane v3, v0;
	_ =	sdelay $0x1  }
0x94: {  	v4 =	vadd.s32 v1, v4;
	_ =	sdelay $0x1  }
0x95: {  	v3 =	vperm.xlane v3, v2;
	_ =	sdelay $0x1  }
0x96: {  	s1 =	rddreg [dreg:$0x1b];
	v3 =	vadd.s32 v1, v3  }
0x97: {  	[hbm4b:s3+s2] =	stream.indirect_vreg.scatter [tilespmem:s1], [sflag:$0x1], $0x80, v4, vm0, $0xb8;
	[tilespmem:$0x19100] =	vst v63  }
0x98: {  	s15 =	rddreg [dreg:$0x1c]  }
0x99: {  	[hbm4b:s5+s2] =	stream.indirect_vreg.scatter [tilespmem:s15], [sflag:$0x1], $0x80, v4, vm1, $0xb8;
	[tilespmem:$0x19100] =	vst v63  }
0x9a: {  	s1 =	rddreg [dreg:$0x1d]  }
0x9b: {  	[hbm4b:s3+s2] =	stream.indirect_vreg.scatter [tilespmem:s1], [sflag:$0x1], $0x80, v3, vm0, $0xb8;
	[tilespmem:$0x19100] =	vst v63  }
0x9c: {  	s15 =	rddreg [dreg:$0x1e]  }
0x9d: {  	[hbm4b:s5+s2] =	stream.indirect_vreg.scatter [tilespmem:s15], [sflag:$0x1], $0x80, v3, vm1, $0xb8;
	[tilespmem:$0x19100] =	vst v63  }
0x9e: {  	v3 =	vld [tilespmem:$0x50];
	_ =	sdelay $0x4  }
0x9f: {  	v53 =	vshrl.u32 v3, $0x3  }
0xa0: {  	v4 =	vmul.u32 $0x18, v53  }
0xa1: {  	v3 =	vand.u32 $0x7, v3  }
0xa2: {  	v3 =	vor.u32 v3, v4  }
0xa3: {  	v4 =	vperm.xlane v3, v0;
	_ =	sdelay $0x1  }
0xa4: {  	v4 =	vadd.s32 v1, v4;
	_ =	sdelay $0x1  }
0xa5: {  	v3 =	vperm.xlane v3, v2  }
0xa6: {  	s1 =	rddreg [dreg:$0x1f]  }
0xa7: {  	s15 =	sld [smem:$0x7E3];
	v3 =	vadd.s32 v1, v3  }
0xa8: {  	[hbm4b:s3+s2] =	stream.indirect_vreg.scatter [tilespmem:s1], [sflag:$0x1], $0x80, v4, vm0, $0xb8;
	[tilespmem:$0x19100] =	vst v63  }
0xa9: {  	s1 =	sld [smem:$0x7E4]  }
0xaa: {  	[hbm4b:s5+s2] =	stream.indirect_vreg.scatter [tilespmem:s15], [sflag:$0x1], $0x80, v4, vm1, $0xb8;
	[tilespmem:$0x19100] =	vst v63  }
0xab: {  	s15 =	sld [smem:$0x7E5]  }
0xac: {  	[hbm4b:s3+s2] =	stream.indirect_vreg.scatter [tilespmem:s1], [sflag:$0x1], $0x80, v3, vm0, $0xb8;
	[tilespmem:$0x19100] =	vst v63  }
0xad: {  	_ = 	snop  }
0xae: {  	[hbm4b:s5+s2] =	stream.indirect_vreg.scatter [tilespmem:s15], [sflag:$0x1], $0x80, v3, vm1, $0xb8;
	[tilespmem:$0x19100] =	vst v63  }
0xaf: {  	v3 =	vld [tilespmem:$0x60];
	_ =	sdelay $0x4  }
0xb0: {  	v54 =	vshrl.u32 v3, $0x3  }
0xb1: {  	v4 =	vmul.u32 $0x18, v54  }
0xb2: {  	v3 =	vand.u32 $0x7, v3  }
0xb3: {  	v3 =	vor.u32 v3, v4  }
0xb4: {  	v4 =	vperm.xlane v3, v0;
	_ =	sdelay $0x1  }
0xb5: {  	v4 =	vadd.s32 v1, v4;
	_ =	sdelay $0x1  }
0xb6: {  	s1 =	sld [smem:$0x7E6];
	v3 =	vperm.xlane v3, v2;
	_ =	sdelay $0x1  }
0xb7: {  	s15 =	sld [smem:$0x7E7];
	v3 =	vadd.s32 v1, v3  }
0xb8: {  	[hbm4b:s3+s2] =	stream.indirect_vreg.scatter [tilespmem:s1], [sflag:$0x1], $0x80, v4, vm0, $0xb8;
	[tilespmem:$0x19100] =	vst v63  }
0xb9: {  	s1 =	sld [smem:$0x7E8]  }
0xba: {  	[hbm4b:s5+s2] =	stream.indirect_vreg.scatter [tilespmem:s15], [sflag:$0x1], $0x80, v4, vm1, $0xb8;
	[tilespmem:$0x19100] =	vst v63  }
0xbb: {  	s15 =	sld [smem:$0x7E9]  }
0xbc: {  	[hbm4b:s3+s2] =	stream.indirect_vreg.scatter [tilespmem:s1], [sflag:$0x1], $0x80, v3, vm0, $0xb8;
	[tilespmem:$0x19100] =	vst v63  }
0xbd: {  	_ = 	snop  }
0xbe: {  	[hbm4b:s5+s2] =	stream.indirect_vreg.scatter [tilespmem:s15], [sflag:$0x1], $0x80, v3, vm1, $0xb8;
	[tilespmem:$0x19100] =	vst v63  }
0xbf: {  	v3 =	vld [tilespmem:$0x70];
	_ =	sdelay $0x4  }
0xc0: {  	v55 =	vshrl.u32 v3, $0x3  }
0xc1: {  	v4 =	vmul.u32 $0x18, v55  }
0xc2: {  	v3 =	vand.u32 $0x7, v3  }
0xc3: {  	v3 =	vor.u32 v3, v4  }
0xc4: {  	v4 =	vperm.xlane v3, v0;
	_ =	sdelay $0x1  }
0xc5: {  	v4 =	vadd.s32 v1, v4;
	_ =	sdelay $0x1  }
0xc6: {  	s1 =	sld [smem:$0x7EA];
	v3 =	vperm.xlane v3, v2;
	_ =	sdelay $0x1  }
0xc7: {  	s15 =	sld [smem:$0x7EB];
	v3 =	vadd.s32 v1, v3  }
0xc8: {  	[hbm4b:s3+s2] =	stream.indirect_vreg.scatter [tilespmem:s1], [sflag:$0x1], $0x80, v4, vm0, $0xb8;
	[tilespmem:$0x19100] =	vst v63  }
0xc9: {  	s1 =	sld [smem:$0x7EC]  }
0xca: {  	[hbm4b:s5+s2] =	stream.indirect_vreg.scatter [tilespmem:s15], [sflag:$0x1], $0x80, v4, vm1, $0xb8;
	[tilespmem:$0x19100] =	vst v63  }
0xcb: {  	s15 =	sld [smem:$0x7ED]  }
0xcc: {  	[hbm4b:s3+s2] =	stream.indirect_vreg.scatter [tilespmem:s1], [sflag:$0x1], $0x80, v3, vm0, $0xb8;
	[tilespmem:$0x19100] =	vst v63  }
0xcd: {  	_ = 	snop  }
0xce: {  	[hbm4b:s5+s2] =	stream.indirect_vreg.scatter [tilespmem:s15], [sflag:$0x1], $0x80, v3, vm1, $0xb8;
	[tilespmem:$0x19100] =	vst v63  }
0xcf: {  	_ =	swait.ge [sflag:s14], $0xC000  }
0xd0: {  	[sflag:s14] =	ssyncset.done $0x0  }
0xd1: {  	[sflag:s14] =	ssyncadd.s32 $0xFFFF4000  }
0xd2: {  	v3 =	vld [tilespmem:$0x0];
	_ =	sdelay $0x4  }
0xd3: {  	v56 =	vshrl.u32 v3, $0x3  }
0xd4: {  	v4 =	vmul.u32 $0x18, v56  }
0xd5: {  	v3 =	vand.u32 $0x7, v3  }
0xd6: {  	v3 =	vor.u32 v3, v4  }
0xd7: {  	v4 =	vperm.xlane v3, v0;
	_ =	sdelay $0x1  }
0xd8: {  	v4 =	vadd.s32 v1, v4;
	_ =	sdelay $0x1  }
0xd9: {  	v3 =	vperm.xlane v3, v2;
	_ =	sdelay $0x1  }
0xda: {  	s1 =	sld [smem:$0x7EE];
	v3 =	vadd.s32 v1, v3  }
0xdb: {  	[hbm4b:s4+s2] =	stream.indirect_vreg.scatter [tilespmem:s11], [sflag:$0x2], $0x80, v4, vm0, $0xb8;
	[tilespmem:$0x19100] =	vst v63  }
0xdc: {  	s15 =	sld [smem:$0x7EF]  }
0xdd: {  	[hbm4b:s6+s2] =	stream.indirect_vreg.scatter [tilespmem:s1], [sflag:$0x2], $0x80, v4, vm1, $0xb8;
	[tilespmem:$0x19100] =	vst v63  }
0xde: {  	s1 =	sld [smem:$0x7F0]  }
0xdf: {  	[hbm4b:s4+s2] =	stream.indirect_vreg.scatter [tilespmem:s15], [sflag:$0x2], $0x80, v3, vm0, $0xb8;
	[tilespmem:$0x19100] =	vst v63  }
0xe0: {  	_ = 	snop  }
0xe1: {  	[hbm4b:s6+s2] =	stream.indirect_vreg.scatter [tilespmem:s1], [sflag:$0x2], $0x80, v3, vm1, $0xb8;
	[tilespmem:$0x19100] =	vst v63  }
0xe2: {  	v3 =	vld [tilespmem:$0x10];
	_ =	sdelay $0x4  }
0xe3: {  	v57 =	vshrl.u32 v3, $0x3  }
0xe4: {  	v4 =	vmul.u32 $0x18, v57  }
0xe5: {  	v3 =	vand.u32 $0x7, v3  }
0xe6: {  	v3 =	vor.u32 v3, v4  }
0xe7: {  	v4 =	vperm.xlane v3, v0;
	_ =	sdelay $0x1  }
0xe8: {  	v4 =	vadd.s32 v1, v4;
	_ =	sdelay $0x1  }
0xe9: {  	s1 =	sld [smem:$0x7F1];
	v3 =	vperm.xlane v3, v2;
	_ =	sdelay $0x1  }
0xea: {  	s15 =	sld [smem:$0x7F2];
	v3 =	vadd.s32 v1, v3  }
0xeb: {  	[hbm4b:s4+s2] =	stream.indirect_vreg.scatter [tilespmem:s1], [sflag:$0x2], $0x80, v4, vm0, $0xb8;
	[tilespmem:$0x19100] =	vst v63  }
0xec: {  	s1 =	sld [smem:$0x7F3]  }
0xed: {  	[hbm4b:s6+s2] =	stream.indirect_vreg.scatter [tilespmem:s15], [sflag:$0x2], $0x80, v4, vm1, $0xb8;
	[tilespmem:$0x19100] =	vst v63  }
0xee: {  	s15 =	sld [smem:$0x7F4]  }
0xef: {  	[hbm4b:s4+s2] =	stream.indirect_vreg.scatter [tilespmem:s1], [sflag:$0x2], $0x80, v3, vm0, $0xb8;
	[tilespmem:$0x19100] =	vst v63  }
0xf0: {  	_ = 	snop  }
0xf1: {  	[hbm4b:s6+s2] =	stream.indirect_vreg.scatter [tilespmem:s15], [sflag:$0x2], $0x80, v3, vm1, $0xb8;
	[tilespmem:$0x19100] =	vst v63  }
0xf2: {  	v3 =	vld [tilespmem:$0x20];
	_ =	sdelay $0x4  }
0xf3: {  	v58 =	vshrl.u32 v3, $0x3  }
0xf4: {  	v4 =	vmul.u32 $0x18, v58  }
0xf5: {  	v3 =	vand.u32 $0x7, v3  }
0xf6: {  	v3 =	vor.u32 v3, v4  }
0xf7: {  	v4 =	vperm.xlane v3, v0;
	_ =	sdelay $0x1  }
0xf8: {  	v4 =	vadd.s32 v1, v4;
	_ =	sdelay $0x1  }
0xf9: {  	s1 =	sld [smem:$0x7F5];
	v3 =	vperm.xlane v3, v2;
	_ =	sdelay $0x1  }
0xfa: {  	s15 =	sld [smem:$0x7F6];
	v3 =	vadd.s32 v1, v3  }
0xfb: {  	[hbm4b:s4+s2] =	stream.indirect_vreg.scatter [tilespmem:s1], [sflag:$0x2], $0x80, v4, vm0, $0xb8;
	[tilespmem:$0x19100] =	vst v63  }
0xfc: {  	s1 =	sld [smem:$0x7F7]  }
0xfd: {  	[hbm4b:s6+s2] =	stream.indirect_vreg.scatter [tilespmem:s15], [sflag:$0x2], $0x80, v4, vm1, $0xb8;
	[tilespmem:$0x19100] =	vst v63  }
0xfe: {  	s15 =	sld [smem:$0x7F8]  }
0xff: {  	[hbm4b:s4+s2] =	stream.indirect_vreg.scatter [tilespmem:s1], [sflag:$0x2], $0x80, v3, vm0, $0xb8;
	[tilespmem:$0x19100] =	vst v63  }
0x100: {  	_ = 	snop  }
0x101: {  	[hbm4b:s6+s2] =	stream.indirect_vreg.scatter [tilespmem:s15], [sflag:$0x2], $0x80, v3, vm1, $0xb8;
	[tilespmem:$0x19100] =	vst v63  }
0x102: {  	v3 =	vld [tilespmem:$0x30];
	_ =	sdelay $0x4  }
0x103: {  	v59 =	vshrl.u32 v3, $0x3  }
0x104: {  	v4 =	vmul.u32 $0x18, v59  }
0x105: {  	v3 =	vand.u32 $0x7, v3  }
0x106: {  	v3 =	vor.u32 v3, v4  }
0x107: {  	v4 =	vperm.xlane v3, v0;
	_ =	sdelay $0x1  }
0x108: {  	v4 =	vadd.s32 v1, v4;
	_ =	sdelay $0x1  }
0x109: {  	s1 =	sld [smem:$0x7F9];
	v3 =	vperm.xlane v3, v2;
	_ =	sdelay $0x1  }
0x10a: {  	s15 =	sld [smem:$0x7FA];
	v3 =	vadd.s32 v1, v3  }
0x10b: {  	[hbm4b:s4+s2] =	stream.indirect_vreg.scatter [tilespmem:s1], [sflag:$0x2], $0x80, v4, vm0, $0xb8;
	[tilespmem:$0x19100] =	vst v63  }
0x10c: {  	s1 =	sld [smem:$0x7FB]  }
0x10d: {  	[hbm4b:s6+s2] =	stream.indirect_vreg.scatter [tilespmem:s15], [sflag:$0x2], $0x80, v4, vm1, $0xb8;
	[tilespmem:$0x19100] =	vst v63  }
0x10e: {  	s15 =	sld [smem:$0x7FC]  }
0x10f: {  	[hbm4b:s4+s2] =	stream.indirect_vreg.scatter [tilespmem:s1], [sflag:$0x2], $0x80, v3, vm0, $0xb8;
	[tilespmem:$0x19100] =	vst v63  }
0x110: {  	_ = 	snop  }
0x111: {  	[hbm4b:s6+s2] =	stream.indirect_vreg.scatter [tilespmem:s15], [sflag:$0x2], $0x80, v3, vm1, $0xb8;
	[tilespmem:$0x19100] =	vst v63  }
0x112: {  	v3 =	vld [tilespmem:$0x40];
	_ =	sdelay $0x4  }
0x113: {  	v60 =	vshrl.u32 v3, $0x3  }
0x114: {  	v4 =	vmul.u32 $0x18, v60  }
0x115: {  	v3 =	vand.u32 $0x7, v3  }
0x116: {  	v3 =	vor.u32 v3, v4  }
0x117: {  	v4 =	vperm.xlane v3, v0;
	_ =	sdelay $0x1  }
0x118: {  	v4 =	vadd.s32 v1, v4;
	_ =	sdelay $0x1  }
0x119: {  	s15 =	sld [smem:$0x7FD];
	v3 =	vperm.xlane v3, v2;
	_ =	sdelay $0x1  }
0x11a: {  	v3 =	vadd.s32 v1, v3  }
0x11b: {  	[hbm4b:s4+s2] =	stream.indirect_vreg.scatter [tilespmem:s15], [sflag:$0x2], $0x80, v4, vm0, $0xb8;
	[tilespmem:$0x19100] =	vst v63  }
0x11c: {  	s15 =	simm.s32 $0x12900  }
0x11d: {  	[hbm4b:s6+s2] =	stream.indirect_vreg.scatter [tilespmem:s15], [sflag:$0x2], $0x80, v4, vm1, $0xb8;
	[tilespmem:$0x19100] =	vst v63  }
0x11e: {  	_ = 	snop  }
0x11f: {  	[hbm4b:s4+s2] =	stream.indirect_vreg.scatter [tilespmem:s16], [sflag:$0x2], $0x80, v3, vm0, $0xb8;
	[tilespmem:$0x19100] =	vst v63  }
0x120: {  	_ = 	snop  }
0x121: {  	[hbm4b:s6+s2] =	stream.indirect_vreg.scatter [tilespmem:s17], [sflag:$0x2], $0x80, v3, vm1, $0xb8;
	[tilespmem:$0x19100] =	vst v63  }
0x122: {  	v3 =	vld [tilespmem:$0x50];
	_ =	sdelay $0x4  }
0x123: {  	v61 =	vshrl.u32 v3, $0x3  }
0x124: {  	v4 =	vmul.u32 $0x18, v61  }
0x125: {  	v3 =	vand.u32 $0x7, v3  }
0x126: {  	v3 =	vor.u32 v3, v4  }
0x127: {  	v4 =	vperm.xlane v3, v0;
	_ =	sdelay $0x1  }
0x128: {  	v4 =	vadd.s32 v1, v4;
	_ =	sdelay $0x1  }
0x129: {  	v3 =	vperm.xlane v3, v2;
	_ =	sdelay $0x1  }
0x12a: {  	v3 =	vadd.s32 v1, v3  }
0x12b: {  	[hbm4b:s4+s2] =	stream.indirect_vreg.scatter [tilespmem:s18], [sflag:$0x2], $0x80, v4, vm0, $0xb8;
	[tilespmem:$0x19100] =	vst v63  }
0x12c: {  	_ = 	snop  }
0x12d: {  	[hbm4b:s6+s2] =	stream.indirect_vreg.scatter [tilespmem:s19], [sflag:$0x2], $0x80, v4, vm1, $0xb8;
	[tilespmem:$0x19100] =	vst v63  }
0x12e: {  	_ = 	snop  }
0x12f: {  	[hbm4b:s4+s2] =	stream.indirect_vreg.scatter [tilespmem:s20], [sflag:$0x2], $0x80, v3, vm0, $0xb8;
	[tilespmem:$0x19100] =	vst v63  }
0x130: {  	_ = 	snop  }
0x131: {  	[hbm4b:s6+s2] =	stream.indirect_vreg.scatter [tilespmem:s21], [sflag:$0x2], $0x80, v3, vm1, $0xb8;
	[tilespmem:$0x19100] =	vst v63  }
0x132: {  	v3 =	vld [tilespmem:$0x60];
	_ =	sdelay $0x4  }
0x133: {  	v62 =	vshrl.u32 v3, $0x3  }
0x134: {  	v4 =	vmul.u32 $0x18, v62  }
0x135: {  	v3 =	vand.u32 $0x7, v3  }
0x136: {  	v3 =	vor.u32 v3, v4  }
0x137: {  	v4 =	vperm.xlane v3, v0;
	_ =	sdelay $0x1  }
0x138: {  	v4 =	vadd.s32 v1, v4;
	_ =	sdelay $0x1  }
0x139: {  	v3 =	vperm.xlane v3, v2;
	_ =	sdelay $0x1  }
0x13a: {  	v3 =	vadd.s32 v1, v3  }
0x13b: {  	[hbm4b:s4+s2] =	stream.indirect_vreg.scatter [tilespmem:s22], [sflag:$0x2], $0x80, v4, vm0, $0xb8;
	[tilespmem:$0x19100] =	vst v63  }
0x13c: {  	_ = 	snop  }
0x13d: {  	[hbm4b:s6+s2] =	stream.indirect_vreg.scatter [tilespmem:s23], [sflag:$0x2], $0x80, v4, vm1, $0xb8;
	[tilespmem:$0x19100] =	vst v63  }
0x13e: {  	_ = 	snop  }
0x13f: {  	[hbm4b:s4+s2] =	stream.indirect_vreg.scatter [tilespmem:s24], [sflag:$0x2], $0x80, v3, vm0, $0xb8;
	[tilespmem:$0x19100] =	vst v63  }
0x140: {  	_ = 	snop  }
0x141: {  	[hbm4b:s6+s2] =	stream.indirect_vreg.scatter [tilespmem:s25], [sflag:$0x2], $0x80, v3, vm1, $0xb8;
	[tilespmem:$0x19100] =	vst v63  }
0x142: {  	v3 =	vld [tilespmem:$0x70];
	_ =	sdelay $0x4  }
0x143: {  	v63 =	vshrl.u32 v3, $0x3  }
0x144: {  	v4 =	vmul.u32 $0x18, v63  }
0x145: {  	v3 =	vand.u32 $0x7, v3  }
0x146: {  	v3 =	vor.u32 v3, v4  }
0x147: {  	v4 =	vperm.xlane v3, v0;
	_ =	sdelay $0x1  }
0x148: {  	v4 =	vadd.s32 v1, v4;
	_ =	sdelay $0x1  }
0x149: {  	v3 =	vperm.xlane v3, v2;
	_ =	sdelay $0x1  }
0x14a: {  	v3 =	vadd.s32 v1, v3  }
0x14b: {  	[hbm4b:s4+s2] =	stream.indirect_vreg.scatter [tilespmem:s26], [sflag:$0x2], $0x80, v4, vm0, $0xb8;
	[tilespmem:$0x19100] =	vst v63  }
0x14c: {  	_ = 	snop  }
0x14d: {  	[hbm4b:s6+s2] =	stream.indirect_vreg.scatter [tilespmem:s28], [sflag:$0x2], $0x80, v4, vm1, $0xb8;
	[tilespmem:$0x19100] =	vst v63  }
0x14e: {  	_ = 	snop  }
0x14f: {  	[hbm4b:s4+s2] =	stream.indirect_vreg.scatter [tilespmem:s29], [sflag:$0x2], $0x80, v3, vm0, $0xb8;
	[tilespmem:$0x19100] =	vst v63  }
0x150: {  	_ = 	snop  }
0x151: {  	[hbm4b:s6+s2] =	stream.indirect_vreg.scatter [tilespmem:s30], [sflag:$0x2], $0x80, v3, vm1, $0xb8;
	[tilespmem:$0x19100] =	vst v63  }
0x152: {  	_ =	swait.ge [sflag:s31], $0x1000  }
0x153: {  	[sflag:s31] =	ssyncset.done $0x0  }
0x154: {  	s15 =	rddreg [dreg:$0x6];
	[sflag:s31] =	ssyncadd.s32 $0xFFFFF000  }
0x155: {  	[hbm4b:s15+s0] =	stream.indirect.scatter [tilespmem:s12], [sflag:$0x3], $0x80, s9, s0, $0xb8;
	[tilespmem:$0x19100] =	vst v63  }
0x156: {  	_ =	swait.ge [sflag:s13], $0xC000  }
0x157: {  	[sflag:s13] =	ssyncset.done $0x0  }
0x158: {  	[sflag:s13] =	ssyncadd.s32 $0xFFFF4000  }
0x159: {  	p0 =	sne.s32 s7, $0x1;
	_ =	swait.ge [sflag:s14], $0xC000  }
.Ltmp0:
0x15a: {  	[sflag:s14] =	ssyncset.done $0x0;
	(pc) =	sbr.rel @p0 .LBB2_1-.Ltmp0, $4  }
0x15b: {  	[sflag:s14] =	ssyncadd.s32 $0xFFFF4000  }
0x15c: {  	_ =	swait.ge [sflag:s31], $0x1000  }
0x15d: {  	[sflag:s31] =	ssyncset.done $0x0  }
0x15e: {  	s7 =	sadd.s32 $0xFFFFFFFF, s7;
	[sflag:s31] =	ssyncadd.s32 $0xFFFFF000  }
0x15f: {  	_ =	sfence.sel $0x180000  }
0x160: {  	[bflag:$0x0] =	sbarrier.arrive $0xFFFF  }
0x161: {  	_ =	strace $0x90000047  }
0x162: {  	s0 =	stileid.u32;
	[bflag:$0x2] =	sbarrier.arrive $0xFFFF  }
0x163: {  	p0 =	sne.s32 s0, $0x0;
	s0 =	rddreg [dreg:$0x5]  }
0x164: {  	s0 =	sadd.s32 @!p0 $0x100000, s0  }
0x165: {  	[sflag:s0] =	ssyncadd.tile.s32 @!p0 $0x1;
	_ =	shalt  }
.Lfunc_end2:
_tile_overlayer_lowered:
.L_overlay_start_2:
0x166: {  	(tag) =	ssettag $0x2  }
0x167: {  	s0 =	rddreg [dreg:$0x0];
	s2 =	stileid.u32  }
0x168: {  	s1 =	rddreg [dreg:$0x1];
	p0 =	sne.s32 s2, $0x0  }
0x169: {  	s3 =	rddreg [dreg:$0x2];
	[bflag:$0x3] =	sbarrier.arrive $0xFFFF;
	s2 =	simm.s32 @!p0 $0x1C04  }
0x16a: {  	[timem:s3], [sflag:s2] =	dma.local @!p0 [hbm:s0], s1  }
0x16b: {  	s0 =	simm.s32 @!p0 $0x4  }
0x16c: {  	_ =	swait.ge @!p0 [sflag:s0], s1  }
0x16d: {  	s1 =	ssub.s32 @!p0 $0x0, s1;
	[sflag:s0] =	ssyncset.done @!p0 $0x0  }
0x16e: {  	[sflag:s0] =	ssyncadd.s32 @!p0 s1  }
0x16f: {  	[bflag:$0x3] =	sbarrier.arrive $0xFFFF  }
0x170: {  	_ =	shalt  }

// kernel: kernel.9.cloned.1.call-start
scs
__scs_entry_jumppad:
0x0: {  	(pc) =	sbr.rel $0x88, $3  }
0x1: {  	(tag) =	ssettag $0x0;
	lr =	simm.s32 $0x1  }
0x2: {  	[smem:$0x3F92] =	sst lr;
	_ =	strace $0xD0000000  }
0x3: {  	_ = 	snop  }
0x4: {  	_ = 	snop  }
0x5: {  	_ = 	snop  }
0x6: {  	_ = 	snop  }
0x7: {  	_ = 	snop  }
__scs_overlays_trampoline_lowered:
0x8: {  	[smem:$0x3FA1] =	sst s0  }
0x9: {  	[smem:$0x3FA2] =	sst s1  }
0xa: {  	[smem:$0x3FA3] =	sst s2  }
0xb: {  	[smem:$0x3FA4] =	sst s3  }
0xc: {  	[smem:$0x3FA5] =	sst s4  }
0xd: {  	[smem:$0x3FA6] =	sst s5  }
0xe: {  	[smem:$0x3FA7] =	sst s6  }
0xf: {  	[smem:$0x3FA8] =	sst s7  }
0x10: {  	[smem:$0x3FA9] =	sst s8  }
0x11: {  	[smem:$0x3FAA] =	sst s9;
	s0 =	simm.s32 @!p0 $0x0  }
0x12: {  	s1 =	sld [smem:$0x3F90];
	s0 =	simm.s32 @p0 $0x1  }
0x13: {  	[smem:$0x3FAB] =	sst s0;
	s0 =	simm.s32 @!p1 $0x0  }
0x14: {  	s2 =	sld [smem:$0x3F8F];
	s0 =	simm.s32 @p1 $0x1  }
0x15: {  	[smem:$0x3FAC] =	sst s0;
	s0 =	simm.s32 @!p2 $0x0  }
0x16: {  	s3 =	sld [smem:$0x3FDB];
	s0 =	simm.s32 @p2 $0x1  }
0x17: {  	s4 =	simm.s32 $0x1BF5;
	[smem:$0x3FAE] =	sst s0  }
0x18: {  	s0 =	sld [smem:$0x3F91];
	_ =	swait.ge [sflag:s4], $0x0  }
0x19: {  	s7 =	sld [smem:$0x3F92]  }
0x1a: {  	s8 =	sadd.s32 $0xFFFFE003, lr  }
0x1b: {  	s9 =	sadd.s32 $0xFFFFFEF7, lr;
	s5 =	simm.s32 $0xFFFFFFFF;
	p2 =	slt.u32 s8, $0xFFFFF086  }
0x1c: {  	p1 =	slt.u32 s9, $0xF7A;
	s5 =	simm.s32 @!p2 $0x0  }
0x1d: {  	s5 =	simm.s32 @p1 $0x1;
	p0 =	seq.s32 s7, s2  }
0x1e: {  	s7 =	smul.u32 @!p0 $0xF7A, s2;
	p2 =	seq.s32 @!p0 s5, $0x0  }
0x1f: {  	s9 =	smul.u32 $0xF7A, s1;
	s8 =	simm.s32 @!p0 $0x1BF5;
	p2 =	por !p2, p0  }
0x20: {  	[sflag:s8] =	ssyncset.s32 @!p0 $0xFFFFF086;
	s6 =	sadd.s32 @!p0 s3, s7;
	s7 =	simm.s32 @!p0 $0x108  }
0x21: {  	s3 =	sadd.s32 s3, s9;
	s6 =	sadd.s32 @!p0 $0x88, s6;
	s7 =	simm.s32 @p2 $0x1082  }
0x22: {  	[simem:s7], [sflag:s8] =	dma.local @!p0 [hbm:s6], $0xF7A  }
0x23: {  	s9 =	sor.u32 $0xD0000000, s2;
	s6 =	simm.s32 $0x108;
	_ =	swait.ge @!p0 [sflag:s8], $0x0  }
0x24: {  	s3 =	sadd.s32 $0x88, s3;
	s6 =	simm.s32 @!p1 $0x1082;
	[sflag:s4] =	ssyncset.s32 $0xFFFFF086  }
0x25: {  	[simem:s6], [sflag:s4] =	dma.local [hbm:s3], $0xF7A  }
0x26: {  	[smem:$0x3F92] =	sst s1;
	(tag) =	ssettag s2;
	_ =	strace s9  }
0x27: {  	s1 =	sld [smem:$0x3FA2]  }
0x28: {  	s2 =	sld [smem:$0x3FA3]  }
0x29: {  	s4 =	sld [smem:$0x3FA5]  }
0x2a: {  	p0 =	seq.s32 s5, $0x0;
	s5 =	sld [smem:$0x3FA6]  }
0x2b: {  	s6 =	sld [smem:$0x3FA7]  }
0x2c: {  	s7 =	sld [smem:$0x3FA8]  }
0x2d: {  	s3 =	simm.s32 $0x108;
	s8 =	sld [smem:$0x3FA9]  }
0x2e: {  	s3 =	simm.s32 @!p0 $0x1082;
	s9 =	sld [smem:$0x3FAA]  }
0x2f: {  	lr =	sadd.s32 s0, s3;
	s0 =	sld [smem:$0x3FA1]  }
0x30: {  	s3 =	sld [smem:$0x3FA4]  }
0x31: {  	[smem:$0x3FAD] =	sst s10  }
0x32: {  	s10 =	sld [smem:$0x3FAB];
	_ =	sdelay $0x3  }
0x33: {  	p0 =	seq.s32 s10, $0x1;
	s10 =	sld [smem:$0x3FAD];
	_ =	sdelay $0x3  }
0x34: {  	[smem:$0x3FAD] =	sst s10  }
0x35: {  	s10 =	sld [smem:$0x3FAC];
	_ =	sdelay $0x3  }
0x36: {  	p1 =	seq.s32 s10, $0x1;
	s10 =	sld [smem:$0x3FAD];
	_ =	sdelay $0x3  }
0x37: {  	[smem:$0x3FAD] =	sst s10  }
0x38: {  	s10 =	sld [smem:$0x3FAE]  }
0x39: {  	_ = 	snop;
	(pc) =	sbr.ind lr, $3  }
0x3a: {  	_ = 	snop  }
0x3b: {  	_ = 	snop  }
0x3c: {  	p2 =	seq.s32 s10, $0x1;
	s10 =	sld [smem:$0x3FAD]  }
0x3d: {  	_ =	shalt  }
0x3e: {  	_ =	shalt  }
0x3f: {  	_ =	shalt  }
0x40: {  	_ =	shalt  }
0x41: {  	_ =	shalt  }
0x42: {  	_ =	shalt  }
0x43: {  	_ =	shalt  }
0x44: {  	_ =	shalt  }
0x45: {  	_ =	shalt  }
0x46: {  	_ =	shalt  }
0x47: {  	_ =	shalt  }
0x48: {  	_ =	shalt  }
0x49: {  	_ =	shalt  }
0x4a: {  	_ =	shalt  }
0x4b: {  	_ =	shalt  }
0x4c: {  	_ =	shalt  }
0x4d: {  	_ =	shalt  }
0x4e: {  	_ =	shalt  }
0x4f: {  	_ =	shalt  }
0x50: {  	_ =	shalt  }
0x51: {  	_ =	shalt  }
0x52: {  	_ =	shalt  }
0x53: {  	_ =	shalt  }
0x54: {  	_ =	shalt  }
0x55: {  	_ =	shalt  }
0x56: {  	_ =	shalt  }
0x57: {  	_ =	shalt  }
0x58: {  	_ =	shalt  }
0x59: {  	_ =	shalt  }
0x5a: {  	_ =	shalt  }
0x5b: {  	_ =	shalt  }
0x5c: {  	_ =	shalt  }
0x5d: {  	_ =	shalt  }
0x5e: {  	_ =	shalt  }
0x5f: {  	_ =	shalt  }
0x60: {  	_ =	shalt  }
0x61: {  	_ =	shalt  }
0x62: {  	_ =	shalt  }
0x63: {  	_ =	shalt  }
0x64: {  	_ =	shalt  }
0x65: {  	_ =	shalt  }
0x66: {  	_ =	shalt  }
0x67: {  	_ =	shalt  }
0x68: {  	_ =	shalt  }
0x69: {  	_ =	shalt  }
0x6a: {  	_ =	shalt  }
0x6b: {  	_ =	shalt  }
0x6c: {  	_ =	shalt  }
0x6d: {  	_ =	shalt  }
0x6e: {  	_ =	shalt  }
0x6f: {  	_ =	shalt  }
0x70: {  	_ =	shalt  }
0x71: {  	_ =	shalt  }
0x72: {  	_ =	shalt  }
0x73: {  	_ =	shalt  }
0x74: {  	_ =	shalt  }
0x75: {  	_ =	shalt  }
0x76: {  	_ =	shalt  }
0x77: {  	_ =	shalt  }
0x78: {  	_ =	shalt  }
0x79: {  	_ =	shalt  }
0x7a: {  	_ =	shalt  }
0x7b: {  	_ =	shalt  }
0x7c: {  	_ =	shalt  }
0x7d: {  	_ =	shalt  }
0x7e: {  	_ =	shalt  }
0x7f: {  	_ =	shalt  }
0x80: {  	_ =	shalt  }
0x81: {  	_ =	shalt  }
0x82: {  	_ =	shalt  }
0x83: {  	_ =	shalt  }
0x84: {  	_ =	shalt  }
0x85: {  	_ =	shalt  }
0x86: {  	_ =	shalt  }
0x87: {  	_ =	shalt  }
.Lfunc_end0:
.L_simem_size_0:
called_computation.1_lowered:
.L_overlay_start_0:
0x88: {  	s2 =	sld [smem:$0x3FD9]  }
0x89: {  	s3 =	sld [smem:$0x3FFE];
	_ =	sdelay $0x1  }
0x8a: {  	s1 =	srdreg.scid  }
0x8b: {  	s0 =	sand.u32 $0x1, s1  }
0x8c: {  	s14 =	sshll.u32 s0, $0xA;
	s2 =	sadd.s32 s3, s2  }
0x8d: {  	s2 =	sadd.s32 s2, s14  }
0x8e: {  	[smem:$0x3FB9] =	sst s2  }
0x8f: {  	_ = 	snop  }
0x90: {  	s2 =	sld [smem:$0x3FD0];
	_ =	sdelay $0x2  }
0x91: {  	s15 =	simm.s32 $0xA;
	s4 =	simm.s32 $0x10  }
0x92: {  	[smem:s4], [sflag:s15] =	dma.local [hbm:s2], $0x1  }
0x93: {  	_ =	swait.eq [sflag:s15], $0x1  }
0x94: {  	[sflag:s15] =	ssyncset.done $0x0  }
0x95: {  	[sflag:s15] =	ssyncadd.s32 $0xFFFFFFFF  }
0x96: {  	s16 =	sld [smem:$0x12];
	(tm) =	ssettm $0x1  }
0x97: {  	s17 =	sld [smem:$0x3FFB];
	_ =	sdelay $0x3  }
0x98: {  	_ =	strace s17  }
0x99: {  	s3 =	sld [smem:$0x3FFC];
	_ =	sdelay $0x3  }
0x9a: {  	_ =	strace s3  }
0x9b: {  	s3 =	sld [smem:$0x3FFD];
	_ =	sdelay $0x3  }
0x9c: {  	_ =	strace s3  }
0x9d: {  	_ =	strace $0x8FFFFFFF  }
0x9e: {  	s18 =	sld [smem:$0x3FDB];
	_ =	sdelay $0x1  }
0x9f: {  	s19 =	simm.s32 $_scs_section_size  }
0xa0: {  	s5 =	simm.s32 $_size__tile_overlayer_lowered;
	s6 =	simm.s32 $_tile_overlayer_lowered  }
0xa1: {  	s22 =	simm.s32 $0x1BFF;
	s21 =	sshll.u32 s6, $0x1;
	s3 =	sadd.s32 s19, s18  }
0xa2: {  	s7 =	simm.s32 $0x0;
	s20 =	sshll.u32 s5, $0x1;
	s5 =	sadd.s32 s21, s3  }
0xa3: {  	[timem:s7], [sflag:s22] =	dma.local [hbm:s5], s20  }
0xa4: {  	_ =	swait.ge [sflag:s22], s20  }
0xa5: {  	s4 =	ssub.s32 $0x0, s20;
	[sflag:s22] =	ssyncset.done $0x0  }
0xa6: {  	[sflag:s22] =	ssyncadd.s32 s4;
	_ =	sdelay $0x1  }
0xa7: {  	s23 =	simm.s32 $0x1B8B  }
0xa8: {  	_ =	swait.ge [sflag:s23], $0x1  }
0xa9: {  	[sflag:s23] =	ssyncset.done $0x0  }
0xaa: {  	s25 =	simm.s32 $0x1B8E;
	s24 =	sld [smem:$0x3FFE];
	[sflag:s23] =	ssyncadd.s32 $0xFFFFFFFF  }
0xab: {  	s26 =	simm.s32 $execute0_lowered;
	[smem:$0x3FD2] =	sst s25  }
0xac: {  	s5 =	sshll.u32 s26, $0x1;
	_ =	strace $0x80000049;
	[dreg:$0x1] =	wrdreg $0xFFFFFFFF  }
0xad: {  	s28 =	simm.s32 $_size_execute0_lowered;
	s3 =	sadd.s32 s3, s5;
	[dreg:$0x0] =	wrdreg $0x0  }
0xae: {  	s5 =	sshll.u32 s28, $0x1;
	[dreg:$0x2] =	wrdreg s3  }
0xaf: {  	[dreg:$0x3] =	wrdreg s5  }
0xb0: {  	[dreg:$0x4] =	wrdreg $0xC0  }
0xb1: {  	_ =	task [dreg:s7], $0x5FFFF  }
0xb2: {  	[dreg:$0x1] =	wrdreg $0xFFFFFFFF  }
0xb3: {  	[dreg:$0x0] =	wrdreg $0x60  }
0xb4: {  	[dreg:$0x2] =	wrdreg s24  }
0xb5: {  	[dreg:$0x3] =	wrdreg s16  }
0xb6: {  	[dreg:$0x4] =	wrdreg $0x9  }
0xb7: {  	_ =	task.clear_ibuf [dreg:s7], $0x5FFFF;
	_ =	strace $0x90000049  }
0xb8: {  	s29 =	simm.s32 $0x9;
	_ =	strace $0x8000004B  }
0xb9: {  	_ =	swait.ge [sflag:s29], $0x1  }
0xba: {  	[sflag:s29] =	ssyncadd.s32 $0xFFFFFFFF  }
0xbb: {  	_ =	strace $0x9000004B  }
0xbc: {  	_ =	sfence  }
0xbd: {  	s30 =	sld [smem:$0x0];
	_ =	sdelay $0x2  }
0xbe: {  	s31 =	sshll.u32 s1, $0xD;
	s1 =	sshrl.u32 s1, $0x2  }
0xbf: {  	s3 =	sand.u32 $0x4000, s31;
	s1 =	sadd.s32 s1, s30  }
0xc0: {  	s0 =	sor.u32 s3, s0;
	s1 =	sshll.u32 s1, $0x11  }
0xc1: {  	s0 =	sor.u32 s1, s0  }
0xc2: {  	s0 =	sadd.s32 $0x8F2B, s0  }
0xc3: {  	[sflag:s0] =	ssyncadd.remote.s32 $0x1  }
0xc4: {  	_ =	sfence.sel $0xFFFF  }
0xc5: {  	[dreg:$0x0] =	wrdreg $0xFFFFFFFF;
	(pc) =	sbr.abs _section_cstart, $3  }
0xc6: {  	[dreg:$0x1] =	wrdreg $0xFFFFFFFF  }
0xc7: {  	_ =	task.clear_ibuf [dreg:s7], $0x2FFFF;
	_ =	strace $0x9FFFFFFF  }
0xc8: {  	(tm) =	ssettm $0x7FFFFFFF  }
0xc9: {  	_ =	shalt  }
tec
execute0_lowered:
.L_overlay_start_1:
0x0: {  	(tag) =	ssettag $0x1  }
0x1: {  	s1 =	srdreg.scid;
	s9 =	rddreg [dreg:$0x0]  }
0x2: {  	s0 =	stileid.u32;
	s3 =	rddreg [dreg:$0x1]  }
0x3: {  	s2 =	simm.s32 $0x0;
	s7 =	simm.s32 $0x80;
	s6 =	sand.u32 $0x1, s1  }
0x4: {  	s4 =	sshll.u32 s0, $0x6;
	s1 =	rddreg [dreg:$0x2];
	s5 =	sshll.u32 s6, $0x5  }
0x5: {  	s8 =	simm.s32 $0x1;
	[smem:$0x7FF] =	sst s2;
	s10 =	sor.u32 s5, s4  }
0x6: {  	_ =	strace $0x8000004A;
	s11 =	ssub.s32 $0x2, s6;
	s4 =	sshrl.u32 s10, $0x3  }
0x7: {  	s6 =	simm.s32 $0x20;
	s4 =	sadd.s32 s3, s4;
	s3 =	simm.s32 $0x2  }
0x8: {  	[tilespmem:s2], [sflag:$0x2] =	stream.linear.gather [hbm4b:s4+s2], $0x20, $0x38;
	[tilespmem:$0x1080] =	vst v63  }
0x9: {  	s5 =	sadd.s32 $0x3200, s9;
	s12 =	sshrl.u32 s11, $0x1;
	_ =	swait.ge [sflag:s3], $0x20  }
0xa: {  	s10 =	sshll.u32 s10, $0x4;
	s31 =	ssub.s32 s11, s12;
	[sflag:s3] =	ssyncset.done $0x0  }
0xb: {  	s9 =	sadd.s32 s10, s9;
	s10 =	smax.u32 s31, $0x1;
	[sflag:s3] =	ssyncadd.s32 $0xFFFFFFE0  }
0xc: {  	[tilespmem:s7], [sflag:$0x1] =	stream.indirect.gather [hbm4b:s5+s6], $0x80, s2, s6, $0xb8;
	[tilespmem:$0x1080] =	vst v63  }
0xd: {  	p0 =	sne.s32 s10, $0x1;
	_ =	swait.ge [sflag:s8], $0x1000  }
.Ltmp0:
0xe: {  	[sflag:s8] =	ssyncset.done $0x0;
	(pc) =	sbr.rel @!p0 .LBB2_2-.Ltmp0, $4  }
0xf: {  	s9 =	sadd.s32 $0x7200, s9;
	[sflag:s8] =	ssyncadd.s32 $0xFFFFF000  }
0x10: {  	[hbm4b:s9+s2] =	stream.linear.scatter [tilespmem:s7], [sflag:$0x2], $0x1000, $0x38;
	[tilespmem:$0x1080] =	vst v63  }
0x11: {  	_ =	swait.ge [sflag:s3], $0x1000  }
0x12: {  	s10 =	sadd.s32 $0xFFFFFFFF, s10;
	[sflag:s3] =	ssyncset.done $0x0  }
.LBB2_1:
0x13: {  	p0 =	sne.s32 s10, $0x1;
	s10 =	sadd.s32 $0xFFFFFFFF, s10;
	[sflag:s3] =	ssyncadd.s32 $0xFFFFF000  }
0x14: {  	[tilespmem:s2], [sflag:$0x2] =	stream.linear.gather [hbm4b:s4+s2], $0x20, $0x38;
	[tilespmem:$0x1080] =	vst v63  }
0x15: {  	_ =	swait.ge [sflag:s3], $0x20  }
0x16: {  	[sflag:s3] =	ssyncset.done $0x0  }
0x17: {  	[sflag:s3] =	ssyncadd.s32 $0xFFFFFFE0  }
0x18: {  	[tilespmem:s7], [sflag:$0x1] =	stream.indirect.gather [hbm4b:s5+s6], $0x80, s2, s6, $0xb8;
	[tilespmem:$0x1080] =	vst v63  }
0x19: {  	_ =	swait.ge [sflag:s8], $0x1000  }
.Ltmp1:
0x1a: {  	[sflag:s8] =	ssyncset.done $0x0;
	(pc) =	sbr.rel @p0 .LBB2_1-.Ltmp1, $4  }
0x1b: {  	[sflag:s8] =	ssyncadd.s32 $0xFFFFF000  }
0x1c: {  	[hbm4b:s9+s2] =	stream.linear.scatter [tilespmem:s7], [sflag:$0x2], $0x1000, $0x38;
	[tilespmem:$0x1080] =	vst v63  }
0x1d: {  	_ =	swait.ge [sflag:s3], $0x1000  }
0x1e: {  	[sflag:s3] =	ssyncset.done $0x0  }
.LBB2_2:
0x1f: {  	[sflag:s3] =	ssyncadd.s32 $0xFFFFF000  }
0x20: {  	_ =	sfence.sel $0x180000  }
0x21: {  	[bflag:$0x0] =	sbarrier.arrive $0xFFFF  }
0x22: {  	p0 =	sne.s32 s0, $0x0;
	_ =	strace $0x9000004A  }
0x23: {  	s0 =	sadd.s32 @!p0 $0x100000, s1;
	[bflag:$0x2] =	sbarrier.arrive $0xFFFF  }
0x24: {  	[sflag:s0] =	ssyncadd.tile.s32 @!p0 $0x1;
	_ =	shalt  }
.Lfunc_end2:
_tile_overlayer_lowered:
.L_overlay_start_2:
0x25: {  	(tag) =	ssettag $0x2  }
0x26: {  	s0 =	rddreg [dreg:$0x0];
	s2 =	stileid.u32  }
0x27: {  	s1 =	rddreg [dreg:$0x1];
	p0 =	sne.s32 s2, $0x0  }
0x28: {  	s3 =	rddreg [dreg:$0x2];
	[bflag:$0x3] =	sbarrier.arrive $0xFFFF;
	s2 =	simm.s32 @!p0 $0x1C02  }
0x29: {  	[timem:s3], [sflag:s2] =	dma.local @!p0 [hbm:s0], s1  }
0x2a: {  	s0 =	simm.s32 @!p0 $0x2  }
0x2b: {  	_ =	swait.ge @!p0 [sflag:s0], s1  }
0x2c: {  	s1 =	ssub.s32 @!p0 $0x0, s1;
	[sflag:s0] =	ssyncset.done @!p0 $0x0  }
0x2d: {  	[sflag:s0] =	ssyncadd.s32 @!p0 s1  }
0x2e: {  	[bflag:$0x3] =	sbarrier.arrive $0xFFFF  }
0x2f: {  	_ =	shalt  }

</sc_bundles>
